<compile_context>
chip_gen: v7x
topology: tpu7x:2x2x1
jax: 0.10.2.dev20260603
libtpu: 0.0.44.dev20260713+nightly
codegen_flags: <defaults>
</compile_context>

<pallas_src>
import jax
import jax.numpy as jnp
from jax import lax
from jax.experimental import pallas as pl
from jax.experimental.pallas import tpu as pltpu
from jax.experimental.pallas import tpu_sc as plsc

N_NODES = 10000
N_PAD = 10240
N_EDGES = 320000
D = 128
CHUNK = 128
N_CHUNKS = N_EDGES // CHUNK
NC = 2
NS = 16
NW = NC * NS


def _scatter_body(emb_hbm, src_hbm, zsum_hbm, zcnt_hbm, ones_hbm,
                  psum_hbm, pcnt_hbm,
                  acc_sh, cnt_sh, idx_v, rows_v, ones_v):
    c = lax.axis_index("c")
    s = lax.axis_index("s")
    w = c * NS + s
    zrows = N_PAD // NS
    pltpu.sync_copy(zsum_hbm.at[pl.ds(s * zrows, zrows)],
                    acc_sh.at[pl.ds(s * zrows, zrows)])
    pltpu.sync_copy(zcnt_hbm.at[pl.ds(s * zrows, zrows)],
                    cnt_sh.at[pl.ds(s * zrows, zrows)])
    pltpu.sync_copy(ones_hbm, ones_v)
    plsc.subcore_barrier()

    n_iter = (N_CHUNKS + NW - 1) // NW

    def body(i, carry):
        ch = w + i * NW

        @pl.when(ch < N_CHUNKS)
        def _():
            pltpu.sync_copy(src_hbm.at[pl.ds(ch * CHUNK, CHUNK)], idx_v)
            pltpu.sync_copy(emb_hbm.at[pl.ds(ch * CHUNK, CHUNK)], rows_v)
            pltpu.sync_copy(rows_v, acc_sh.at[idx_v], add=True)
            pltpu.sync_copy(ones_v, cnt_sh.at[idx_v], add=True)

        return carry

    lax.fori_loop(0, n_iter, body, 0)
    plsc.subcore_barrier()

    @pl.when(s == 0)
    def _():
        pltpu.sync_copy(acc_sh, psum_hbm.at[pl.ds(c * N_PAD, N_PAD)])
        pltpu.sync_copy(cnt_sh, pcnt_hbm.at[pl.ds(c * N_PAD, N_PAD)])


def _make_scatter():
    mesh = plsc.VectorSubcoreMesh(core_axis_name="c", subcore_axis_name="s")
    return pl.kernel(
        _scatter_body,
        mesh=mesh,
        out_type=[
            jax.ShapeDtypeStruct((NC * N_PAD, D), jnp.float32),
            jax.ShapeDtypeStruct((NC * N_PAD,), jnp.float32),
        ],
        scratch_types=[
            pltpu.VMEM_SHARED((N_PAD, D), jnp.float32),
            pltpu.VMEM_SHARED((N_PAD,), jnp.float32),
            pltpu.VMEM((CHUNK,), jnp.int32),
            pltpu.VMEM((CHUNK, D), jnp.float32),
            pltpu.VMEM((CHUNK,), jnp.float32),
        ],
    )


def _combine_body(p0_ref, p1_ref, c0_ref, c1_ref, tbl_ref, cnt_ref):
    tbl_ref[...] = p0_ref[...] + p1_ref[...]
    cnt_ref[...] = c0_ref[...] + c1_ref[...]


def _combine(psum, pcnt2d):
    nb = 10
    rows = N_PAD // nb
    crows = (N_PAD // D) // nb
    return pl.pallas_call(
        _combine_body,
        grid=(nb,),
        in_specs=[
            pl.BlockSpec((rows, D), lambda i: (i, 0)),
            pl.BlockSpec((rows, D), lambda i: (nb + i, 0)),
            pl.BlockSpec((crows, D), lambda i: (i, 0)),
            pl.BlockSpec((crows, D), lambda i: (nb + i, 0)),
        ],
        out_specs=[
            pl.BlockSpec((rows, D), lambda i: (i, 0)),
            pl.BlockSpec((crows, D), lambda i: (i, 0)),
        ],
        out_shape=[
            jax.ShapeDtypeStruct((N_PAD, D), jnp.float32),
            jax.ShapeDtypeStruct((N_PAD // D, D), jnp.float32),
        ],
    )(psum, psum, pcnt2d, pcnt2d)


def _gather_body(tbl_hbm, cnt1d_hbm, idx_all_hbm,
                 g_hbm, cnt_out_hbm,
                 idx_v, rows_v, cout_v, sem, sem2):
    c = lax.axis_index("c")
    s = lax.axis_index("s")
    n_iter = (N_CHUNKS + NS - 1) // NS

    def body(i, carry):
        ch = s + i * NS

        @pl.when(ch < N_CHUNKS)
        def _():
            base = c * N_EDGES + ch * CHUNK
            pltpu.sync_copy(idx_all_hbm.at[pl.ds(base, CHUNK)], idx_v)
            cp1 = pltpu.async_copy(tbl_hbm.at[idx_v], rows_v, sem)
            cp2 = pltpu.async_copy(cnt1d_hbm.at[idx_v], cout_v, sem2)
            cp1.wait()
            cp2.wait()
            pltpu.sync_copy(rows_v, g_hbm.at[pl.ds(base, CHUNK)])
            pltpu.sync_copy(cout_v, cnt_out_hbm.at[pl.ds(base, CHUNK)])

        return carry

    lax.fori_loop(0, n_iter, body, 0)


def _make_gather():
    mesh = plsc.VectorSubcoreMesh(core_axis_name="c", subcore_axis_name="s")
    return pl.kernel(
        _gather_body,
        mesh=mesh,
        out_type=[
            jax.ShapeDtypeStruct((NC * N_EDGES, D), jnp.float32),
            jax.ShapeDtypeStruct((NC * N_EDGES,), jnp.float32),
        ],
        scratch_types=[
            pltpu.VMEM((CHUNK,), jnp.int32),
            pltpu.VMEM((CHUNK, D), jnp.float32),
            pltpu.VMEM((CHUNK,), jnp.float32),
            pltpu.SemaphoreType.DMA,
            pltpu.SemaphoreType.DMA,
        ],
    )


B_EDGE = 2560
R_SC = B_EDGE // D
R_PAD = 24


def _expand_col(S):
    R = S.shape[0]
    X = jnp.reshape(jnp.broadcast_to(S[:, None, :], (R, D, D)), (R * D, D))
    lane = lax.broadcasted_iota(jnp.int32, (R * D, D), 1)
    want = lax.broadcasted_iota(jnp.int32, (R * D, D), 0) % D
    return jnp.sum(jnp.where(lane == want, X, 0.0), axis=1, keepdims=True)


def _final_body(e_ref, gs_ref, gd_ref, cu_ref, cv_ref, src_ref, dst_ref,
                wf_ref, bf_ref, wb_ref, bb_ref, gwt_ref, gb_ref, out_ref):
    e = e_ref[...]
    cntu = _expand_col(cu_ref[...])[:B_EDGE] - 1.0
    sum_u = gs_ref[...] - e
    agg_u = jnp.where(cntu > 0, sum_u / jnp.maximum(cntu, 1.0), 0.0)
    selfv = _expand_col(
        (src_ref[...] == dst_ref[...]).astype(jnp.float32))[:B_EDGE]
    cntv = _expand_col(cv_ref[...])[:B_EDGE] - selfv
    sum_v = gd_ref[...] - selfv * e
    agg_v = jnp.where(cntv > 0, sum_v / jnp.maximum(cntv, 1.0), 0.0)
    af = jnp.dot(agg_u, wf_ref[...], preferred_element_type=jnp.float32) \
        + bf_ref[...]
    ab = jnp.dot(agg_v, wb_ref[...], preferred_element_type=jnp.float32) \
        + bb_ref[...]
    gate = jax.nn.sigmoid(
        jnp.sum((af + ab) * gwt_ref[...], axis=1, keepdims=True) + gb_ref[...])
    out_ref[...] = gate * af + (1.0 - gate) * ab


def _final(edge_emb, g_all, c2d, src2d, dst2d, Wf, bf2, Wb, bb2, gwt, gb2):
    nb = N_EDGES // B_EDGE
    row = lambda off: pl.BlockSpec((B_EDGE, D), lambda i, _o=off: (_o + i, 0))
    scl = lambda off: pl.BlockSpec((R_PAD, D), lambda i, _o=off: (_o + i, 0))
    pin = lambda shape: pl.BlockSpec(shape, lambda i: (0, 0))
    return pl.pallas_call(
        _final_body,
        grid=(nb,),
        in_specs=[
            row(0),
            row(0), row(nb),
            scl(0), scl(nb),
            scl(0), scl(0),
            pin((D, D)), pin((1, D)), pin((D, D)), pin((1, D)),
            pin((1, D)), pin((1, 1)),
        ],
        out_specs=pl.BlockSpec((B_EDGE, D), lambda i: (i, 0)),
        out_shape=jax.ShapeDtypeStruct((N_EDGES, D), jnp.float32),
    )(edge_emb, g_all, g_all, c2d, c2d, src2d, dst2d,
      Wf, bf2, Wb, bb2, gwt, gb2)


def kernel(edge_emb, edge_index, Wf, bf, Wb, bb, gw, gb):
    idx_all = edge_index.astype(jnp.int32).reshape(NC * N_EDGES)
    src = idx_all[:N_EDGES]
    zsum = jnp.zeros((N_PAD, D), jnp.float32)
    zcnt = jnp.zeros((N_PAD,), jnp.float32)
    ones = jnp.ones((CHUNK,), jnp.float32)

    psum, pcnt = _make_scatter()(edge_emb, src, zsum, zcnt, ones)
    tbl, cnt80 = _combine(psum, pcnt.reshape(NC * N_PAD // D, D))
    g_all, c_all = _make_gather()(tbl, cnt80.reshape(N_PAD), idx_all)

    nb = N_EDGES // B_EDGE

    def lane_pack(x, groups):
        x3 = x.reshape(groups * nb, R_SC, D)
        x3 = jnp.pad(x3, ((0, 0), (0, R_PAD - R_SC), (0, 0)))
        return x3.reshape(groups * nb * R_PAD, D)

    return _final(edge_emb, g_all,
                  lane_pack(c_all, NC),
                  lane_pack(src, 1),
                  lane_pack(idx_all[N_EDGES:], 1),
                  Wf, bf.reshape(1, D), Wb, bb.reshape(1, D),
                  gw.reshape(1, D), gb.reshape(1, 1))

# --- scband reference (transcript-rebuilt; emitter-appended) ---
"""Pipeline reference for scband-local-edge-encoder-65824668779103 (READ-ONLY COPY).

The authoritative reference and input builder live on the scoring server;
editing this copy changes nothing except your own understanding.
"""

import jax, jax.numpy as jnp
import numpy as np

N_NODES = 10000
N_EDGES = 320000
IN_DIM = 128
HID = 128

def setup_inputs(seed: int = 0) -> dict:
    key = jax.random.key(seed)
    ks = jax.random.split(key, 8)
    edge_emb = jax.random.normal(ks[0], (N_EDGES, IN_DIM), dtype=jnp.float32)
    edge_index = jax.random.randint(ks[1], (2, N_EDGES), 0, N_NODES, dtype=jnp.int64)
    s_in = 1.0 / np.sqrt(IN_DIM)
    s_h = 1.0 / np.sqrt(HID)
    Wf = jax.random.uniform(ks[2], (IN_DIM, HID), jnp.float32, -s_in, s_in)
    bf = jax.random.uniform(ks[3], (HID,), jnp.float32, -s_in, s_in)
    Wb = jax.random.uniform(ks[4], (IN_DIM, HID), jnp.float32, -s_in, s_in)
    bb = jax.random.uniform(ks[5], (HID,), jnp.float32, -s_in, s_in)
    gw = jax.random.uniform(ks[6], (HID, 1), jnp.float32, -s_h, s_h)
    gb = jax.random.uniform(ks[7], (1,), jnp.float32, -s_h, s_h)
    return {"edge_emb": edge_emb, "edge_index": edge_index, "Wf": Wf, "bf": bf, "Wb": Wb, "bb": bb, "gw": gw, "gb": gb}


def reference(edge_emb, edge_index, Wf, bf, Wb, bb, gw, gb):
    # node_to_edges[u] := edges whose source node is u (dict -> segment reduction)
    src = edge_index[0]
    dst = edge_index[1]
    ones = jnp.ones((edge_emb.shape[0], 1), dtype=edge_emb.dtype)
    node_sum = jax.ops.segment_sum(edge_emb, src, num_segments=N_NODES)
    node_cnt = jax.ops.segment_sum(ones, src, num_segments=N_NODES)
    # agg at u for edge i: mean over edges sourced at u excluding i; zeros if none
    cnt_u = node_cnt[src] - 1.0
    sum_u = node_sum[src] - edge_emb
    agg_u = jnp.where(cnt_u > 0, sum_u / jnp.maximum(cnt_u, 1.0), jnp.zeros_like(edge_emb))
    # agg at v for edge i: mean over edges sourced at v, excluding i only if src[i]==v
    self_in_v = (src == dst).astype(edge_emb.dtype)[:, None]
    cnt_v = node_cnt[dst] - self_in_v
    sum_v = node_sum[dst] - self_in_v * edge_emb
    agg_v = jnp.where(cnt_v > 0, sum_v / jnp.maximum(cnt_v, 1.0), jnp.zeros_like(edge_emb))
    agg_forward = agg_u @ Wf + bf
    agg_backward = agg_v @ Wb + bb
    gate = jax.nn.sigmoid((agg_forward + agg_backward) @ gw + gb)
    return gate * agg_forward + (1.0 - gate) * agg_backward

if __name__ == "__main__":
    import jax
    _d = setup_inputs()
    print(jax.jit(kernel)(*tuple(_d.values())))

</pallas_src>

<mosaic_0001>
#map = affine_map<(d0, d1) -> (0, 0)>
#map1 = affine_map<(d0, d1) -> (0)>
module attributes {stable_mosaic.version = 14 : i64} {
  func.func @_scatter_body(%arg0: i32, %arg1: i32, %arg2: memref<320000x128xf32, #tpu.memory_space<hbm>>, %arg3: memref<320000xi32, #tpu.memory_space<hbm>>, %arg4: memref<10240x128xf32, #tpu.memory_space<hbm>>, %arg5: memref<10240xf32, #tpu.memory_space<hbm>>, %arg6: memref<128xf32, #tpu.memory_space<hbm>>, %arg7: memref<20480x128xf32, #tpu.memory_space<hbm>>, %arg8: memref<20480xf32, #tpu.memory_space<hbm>>, %arg9: memref<10240x128xf32, #tpu.memory_space<vmem_shared>>, %arg10: memref<10240xf32, #tpu.memory_space<vmem_shared>>, %arg11: memref<128xi32, #tpu.memory_space<vmem>>, %arg12: memref<128x128xf32, #tpu.memory_space<vmem>>, %arg13: memref<128xf32, #tpu.memory_space<vmem>>) attributes {dimension_semantics = [#tpu.dimension_semantics<core_parallel>, #tpu.dimension_semantics<subcore_parallel>], iteration_bounds = array<i64: 2, 16>, scalar_prefetch = 0 : i64, scratch_operands = 5 : i64, tpu.core_type = #tpu.core_type<sc_vector_subcore>, window_params = [{transform_indices = #map}, {transform_indices = #map1}, {transform_indices = #map}, {transform_indices = #map1}, {transform_indices = #map1}, {transform_indices = #map}, {transform_indices = #map1}]} {
    %mul3A = arith.constant 16 : i32
    %mul3A_0 = arith.muli %arg0, %mul3A : i32
    %add3A = arith.addi %mul3A_0, %arg1 : i32
    %mul3A_1 = arith.constant 640 : i32
    %mul3A_2 = arith.muli %arg1, %mul3A_1 : i32
    %mul3A_3 = arith.constant 640 : i32
    %mul3A_4 = arith.muli %arg1, %mul3A_3 : i32
    "tpu.region"() ({
      %run_scoped3A = tpu.sem_alloc : memref<!tpu.dma_semaphore, #tpu.memory_space<semaphore_mem>>
      %dma_start3A = arith.constant 0 : i32
      %dma_start3A_17 = tpu.memref_slice %arg9[%mul3A_4, %dma_start3A] : memref<10240x128xf32, #tpu.memory_space<vmem_shared>> -> memref<640x128xf32, #tpu.memory_space<vmem_shared>>
      %dma_start3A_18 = arith.constant 0 : i32
      %dma_start3A_19 = tpu.memref_slice %arg4[%mul3A_2, %dma_start3A_18] : memref<10240x128xf32, #tpu.memory_space<hbm>> -> memref<640x128xf32, #tpu.memory_space<hbm>>
      tpu.enqueue_dma source(%dma_start3A_19 : memref<640x128xf32, #tpu.memory_space<hbm>>) target(%dma_start3A_17 : memref<640x128xf32, #tpu.memory_space<vmem_shared>>) target_semaphore(%run_scoped3A : memref<!tpu.dma_semaphore, #tpu.memory_space<semaphore_mem>>)
      %dma_wait3A = arith.constant 0 : i32
      %dma_wait3A_20 = tpu.memref_slice %arg9[%mul3A_4, %dma_wait3A] : memref<10240x128xf32, #tpu.memory_space<vmem_shared>> -> memref<640x128xf32, #tpu.memory_space<vmem_shared>>
      %dma_wait3A_21 = arith.constant 0 : i32
      %dma_wait3A_22 = tpu.memref_slice %arg4[%mul3A_2, %dma_wait3A_21] : memref<10240x128xf32, #tpu.memory_space<hbm>> -> memref<640x128xf32, #tpu.memory_space<hbm>>
      tpu.wait_dma2 semaphore(%run_scoped3A : memref<!tpu.dma_semaphore, #tpu.memory_space<semaphore_mem>>) src(%dma_wait3A_22 : memref<640x128xf32, #tpu.memory_space<hbm>>) dst(%dma_wait3A_20 : memref<640x128xf32, #tpu.memory_space<vmem_shared>>)
      tpu.yield
    }) : () -> ()
    %mul3A_5 = arith.constant 640 : i32
    %mul3A_6 = arith.muli %arg1, %mul3A_5 : i32
    %mul3A_7 = arith.constant 640 : i32
    %mul3A_8 = arith.muli %arg1, %mul3A_7 : i32
    "tpu.region"() ({
      %run_scoped3A = tpu.sem_alloc : memref<!tpu.dma_semaphore, #tpu.memory_space<semaphore_mem>>
      %dma_start3A = tpu.memref_slice %arg10[%mul3A_8] : memref<10240xf32, #tpu.memory_space<vmem_shared>> -> memref<640xf32, #tpu.memory_space<vmem_shared>>
      %dma_start3A_17 = tpu.memref_slice %arg5[%mul3A_6] : memref<10240xf32, #tpu.memory_space<hbm>> -> memref<640xf32, #tpu.memory_space<hbm>>
      tpu.enqueue_dma source(%dma_start3A_17 : memref<640xf32, #tpu.memory_space<hbm>>) target(%dma_start3A : memref<640xf32, #tpu.memory_space<vmem_shared>>) target_semaphore(%run_scoped3A : memref<!tpu.dma_semaphore, #tpu.memory_space<semaphore_mem>>)
      %dma_wait3A = tpu.memref_slice %arg10[%mul3A_8] : memref<10240xf32, #tpu.memory_space<vmem_shared>> -> memref<640xf32, #tpu.memory_space<vmem_shared>>
      %dma_wait3A_18 = tpu.memref_slice %arg5[%mul3A_6] : memref<10240xf32, #tpu.memory_space<hbm>> -> memref<640xf32, #tpu.memory_space<hbm>>
      tpu.wait_dma2 semaphore(%run_scoped3A : memref<!tpu.dma_semaphore, #tpu.memory_space<semaphore_mem>>) src(%dma_wait3A_18 : memref<640xf32, #tpu.memory_space<hbm>>) dst(%dma_wait3A : memref<640xf32, #tpu.memory_space<vmem_shared>>)
      tpu.yield
    }) : () -> ()
    "tpu.region"() ({
      %run_scoped3A = tpu.sem_alloc : memref<!tpu.dma_semaphore, #tpu.memory_space<semaphore_mem>>
      tpu.enqueue_dma source(%arg6 : memref<128xf32, #tpu.memory_space<hbm>>) target(%arg13 : memref<128xf32, #tpu.memory_space<vmem>>) target_semaphore(%run_scoped3A : memref<!tpu.dma_semaphore, #tpu.memory_space<semaphore_mem>>)
      tpu.wait_dma2 semaphore(%run_scoped3A : memref<!tpu.dma_semaphore, #tpu.memory_space<semaphore_mem>>) src(%arg6 : memref<128xf32, #tpu.memory_space<hbm>>) dst(%arg13 : memref<128xf32, #tpu.memory_space<vmem>>)
      tpu.yield
    }) : () -> ()
    %barrier3A = arith.constant 0 : index
    tpu.barrier barrier_id(%barrier3A)
    %scan3A = arith.constant 0 : i32
    %scan3A_9 = arith.constant 0 : i32
    %scan3A_10 = arith.constant 79 : i32
    %scan3A_11 = arith.addi %scan3A_9, %scan3A_10 : i32
    %scan3A_12 = arith.constant 1 : i32
    scf.for %scan3A_17 = %scan3A_9 to %scan3A_11 step %scan3A_12  : i32 {
      %mul3A_18 = arith.constant 32 : i32
      %mul3A_19 = arith.muli %scan3A_17, %mul3A_18 : i32
      %add3A_20 = arith.addi %add3A, %mul3A_19 : i32
      %lt3A = arith.constant 2500 : i32
      %lt3A_21 = arith.cmpi slt, %add3A_20, %lt3A : i32
      %convert_element_type3A_22 = arith.extui %lt3A_21 : i1 to i32
      %cond3A_23 = arith.constant 0 : i32
      %cond3A_24 = arith.cmpi ne, %convert_element_type3A_22, %cond3A_23 : i32
      scf.if %cond3A_24 {
        %mul3A_25 = arith.constant 128 : i32
        %mul3A_26 = arith.muli %add3A_20, %mul3A_25 : i32
        "tpu.region"() ({
          %run_scoped3A = tpu.sem_alloc : memref<!tpu.dma_semaphore, #tpu.memory_space<semaphore_mem>>
          %dma_start3A = tpu.memref_slice %arg3[%mul3A_26] : memref<320000xi32, #tpu.memory_space<hbm>> -> memref<128xi32, #tpu.memory_space<hbm>>
          %dma_start3A_29 = tpu.memref_slice %arg3[%mul3A_26] : memref<320000xi32, #tpu.memory_space<hbm>> -> memref<128xi32, #tpu.memory_space<hbm>>
          tpu.enqueue_dma source(%dma_start3A_29 : memref<128xi32, #tpu.memory_space<hbm>>) target(%arg11 : memref<128xi32, #tpu.memory_space<vmem>>) target_semaphore(%run_scoped3A : memref<!tpu.dma_semaphore, #tpu.memory_space<semaphore_mem>>)
          %dma_wait3A = tpu.memref_slice %arg3[%mul3A_26] : memref<320000xi32, #tpu.memory_space<hbm>> -> memref<128xi32, #tpu.memory_space<hbm>>
          %dma_wait3A_30 = tpu.memref_slice %arg3[%mul3A_26] : memref<320000xi32, #tpu.memory_space<hbm>> -> memref<128xi32, #tpu.memory_space<hbm>>
          tpu.wait_dma2 semaphore(%run_scoped3A : memref<!tpu.dma_semaphore, #tpu.memory_space<semaphore_mem>>) src(%dma_wait3A_30 : memref<128xi32, #tpu.memory_space<hbm>>) dst(%arg11 : memref<128xi32, #tpu.memory_space<vmem>>)
          tpu.yield
        }) : () -> ()
        %mul3A_27 = arith.constant 128 : i32
        %mul3A_28 = arith.muli %add3A_20, %mul3A_27 : i32
        "tpu.region"() ({
          %run_scoped3A = tpu.sem_alloc : memref<!tpu.dma_semaphore, #tpu.memory_space<semaphore_mem>>
          %dma_start3A = arith.constant 0 : i32
          %dma_start3A_29 = tpu.memref_slice %arg2[%mul3A_28, %dma_start3A] : memref<320000x128xf32, #tpu.memory_space<hbm>> -> memref<128x128xf32, #tpu.memory_space<hbm>>
          %dma_start3A_30 = arith.constant 0 : i32
          %dma_start3A_31 = tpu.memref_slice %arg2[%mul3A_28, %dma_start3A_30] : memref<320000x128xf32, #tpu.memory_space<hbm>> -> memref<128x128xf32, #tpu.memory_space<hbm>>
          tpu.enqueue_dma source(%dma_start3A_31 : memref<128x128xf32, #tpu.memory_space<hbm>>) target(%arg12 : memref<128x128xf32, #tpu.memory_space<vmem>>) target_semaphore(%run_scoped3A : memref<!tpu.dma_semaphore, #tpu.memory_space<semaphore_mem>>)
          %dma_wait3A = arith.constant 0 : i32
          %dma_wait3A_32 = tpu.memref_slice %arg2[%mul3A_28, %dma_wait3A] : memref<320000x128xf32, #tpu.memory_space<hbm>> -> memref<128x128xf32, #tpu.memory_space<hbm>>
          %dma_wait3A_33 = arith.constant 0 : i32
          %dma_wait3A_34 = tpu.memref_slice %arg2[%mul3A_28, %dma_wait3A_33] : memref<320000x128xf32, #tpu.memory_space<hbm>> -> memref<128x128xf32, #tpu.memory_space<hbm>>
          tpu.wait_dma2 semaphore(%run_scoped3A : memref<!tpu.dma_semaphore, #tpu.memory_space<semaphore_mem>>) src(%dma_wait3A_34 : memref<128x128xf32, #tpu.memory_space<hbm>>) dst(%arg12 : memref<128x128xf32, #tpu.memory_space<vmem>>)
          tpu.yield
        }) : () -> ()
        "tpu.region"() ({
          %run_scoped3A = tpu.sem_alloc : memref<!tpu.dma_semaphore, #tpu.memory_space<semaphore_mem>>
          %dma_start3A = arith.constant 0 : i32
          %dma_start3A_29 = arith.constant 0 : i32
          %dma_start3A_30 = tpu.memref_slice %arg9[%dma_start3A, %dma_start3A_29] : memref<10240x128xf32, #tpu.memory_space<vmem_shared>> -> memref<10240x128xf32, #tpu.memory_space<vmem_shared>>
          tpu.enqueue_indirect_dma source(%arg12 : memref<128x128xf32, #tpu.memory_space<vmem>>) target(%dma_start3A_30 : memref<10240x128xf32, #tpu.memory_space<vmem_shared>>) offsets(%arg11 : memref<128xi32, #tpu.memory_space<vmem>>) semaphore(%run_scoped3A : memref<!tpu.dma_semaphore, #tpu.memory_space<semaphore_mem>>) {add = true}
          %dma_wait3A = arith.constant 0 : i32
          %dma_wait3A_31 = arith.constant 0 : i32
          %dma_wait3A_32 = tpu.memref_slice %arg9[%dma_wait3A, %dma_wait3A_31] : memref<10240x128xf32, #tpu.memory_space<vmem_shared>> -> memref<10240x128xf32, #tpu.memory_space<vmem_shared>>
          tpu.wait_indirect_dma semaphore(%run_scoped3A : memref<!tpu.dma_semaphore, #tpu.memory_space<semaphore_mem>>) src(%arg12 : memref<128x128xf32, #tpu.memory_space<vmem>>) dst(%dma_wait3A_32 : memref<10240x128xf32, #tpu.memory_space<vmem_shared>>)
          tpu.yield
        }) : () -> ()
        "tpu.region"() ({
          %run_scoped3A = tpu.sem_alloc : memref<!tpu.dma_semaphore, #tpu.memory_space<semaphore_mem>>
          %dma_start3A = arith.constant 0 : i32
          %dma_start3A_29 = tpu.memref_slice %arg10[%dma_start3A] : memref<10240xf32, #tpu.memory_space<vmem_shared>> -> memref<10240xf32, #tpu.memory_space<vmem_shared>>
          tpu.enqueue_indirect_dma source(%arg13 : memref<128xf32, #tpu.memory_space<vmem>>) target(%dma_start3A_29 : memref<10240xf32, #tpu.memory_space<vmem_shared>>) offsets(%arg11 : memref<128xi32, #tpu.memory_space<vmem>>) semaphore(%run_scoped3A : memref<!tpu.dma_semaphore, #tpu.memory_space<semaphore_mem>>) {add = true}
          %dma_wait3A = arith.constant 0 : i32
          %dma_wait3A_30 = tpu.memref_slice %arg10[%dma_wait3A] : memref<10240xf32, #tpu.memory_space<vmem_shared>> -> memref<10240xf32, #tpu.memory_space<vmem_shared>>
          tpu.wait_indirect_dma semaphore(%run_scoped3A : memref<!tpu.dma_semaphore, #tpu.memory_space<semaphore_mem>>) src(%arg13 : memref<128xf32, #tpu.memory_space<vmem>>) dst(%dma_wait3A_30 : memref<10240xf32, #tpu.memory_space<vmem_shared>>)
          tpu.yield
        }) : () -> ()
      } else {
      }
    }
    %scan3A_13 = arith.constant 79 : i32
    %barrier3A_14 = arith.constant 0 : index
    tpu.barrier barrier_id(%barrier3A_14)
    %eq3A = arith.constant 0 : i32
    %eq3A_15 = arith.cmpi eq, %arg1, %eq3A : i32
    %convert_element_type3A = arith.extui %eq3A_15 : i1 to i32
    %cond3A = arith.constant 0 : i32
    %cond3A_16 = arith.cmpi ne, %convert_element_type3A, %cond3A : i32
    scf.if %cond3A_16 {
      %mul3A_17 = arith.constant 10240 : i32
      %mul3A_18 = arith.muli %arg0, %mul3A_17 : i32
      "tpu.region"() ({
        %run_scoped3A = tpu.sem_alloc : memref<!tpu.dma_semaphore, #tpu.memory_space<semaphore_mem>>
        %dma_start3A = arith.constant 0 : i32
        %dma_start3A_21 = tpu.memref_slice %arg7[%mul3A_18, %dma_start3A] : memref<20480x128xf32, #tpu.memory_space<hbm>> -> memref<10240x128xf32, #tpu.memory_space<hbm>>
        tpu.enqueue_dma source(%arg9 : memref<10240x128xf32, #tpu.memory_space<vmem_shared>>) target(%dma_start3A_21 : memref<10240x128xf32, #tpu.memory_space<hbm>>) target_semaphore(%run_scoped3A : memref<!tpu.dma_semaphore, #tpu.memory_space<semaphore_mem>>)
        %dma_wait3A = arith.constant 0 : i32
        %dma_wait3A_22 = tpu.memref_slice %arg7[%mul3A_18, %dma_wait3A] : memref<20480x128xf32, #tpu.memory_space<hbm>> -> memref<10240x128xf32, #tpu.memory_space<hbm>>
        tpu.wait_dma2 semaphore(%run_scoped3A : memref<!tpu.dma_semaphore, #tpu.memory_space<semaphore_mem>>) src(%arg9 : memref<10240x128xf32, #tpu.memory_space<vmem_shared>>) dst(%dma_wait3A_22 : memref<10240x128xf32, #tpu.memory_space<hbm>>)
        tpu.yield
      }) : () -> ()
      %mul3A_19 = arith.constant 10240 : i32
      %mul3A_20 = arith.muli %arg0, %mul3A_19 : i32
      "tpu.region"() ({
        %run_scoped3A = tpu.sem_alloc : memref<!tpu.dma_semaphore, #tpu.memory_space<semaphore_mem>>
        %dma_start3A = tpu.memref_slice %arg8[%mul3A_20] : memref<20480xf32, #tpu.memory_space<hbm>> -> memref<10240xf32, #tpu.memory_space<hbm>>
        tpu.enqueue_dma source(%arg10 : memref<10240xf32, #tpu.memory_space<vmem_shared>>) target(%dma_start3A : memref<10240xf32, #tpu.memory_space<hbm>>) target_semaphore(%run_scoped3A : memref<!tpu.dma_semaphore, #tpu.memory_space<semaphore_mem>>)
        %dma_wait3A = tpu.memref_slice %arg8[%mul3A_20] : memref<20480xf32, #tpu.memory_space<hbm>> -> memref<10240xf32, #tpu.memory_space<hbm>>
        tpu.wait_dma2 semaphore(%run_scoped3A : memref<!tpu.dma_semaphore, #tpu.memory_space<semaphore_mem>>) src(%arg10 : memref<10240xf32, #tpu.memory_space<vmem_shared>>) dst(%dma_wait3A : memref<10240xf32, #tpu.memory_space<hbm>>)
        tpu.yield
      }) : () -> ()
    } else {
    }
    return
  }
}

#map = affine_map<(d0, d1) -> (0, 0)>
#map1 = affine_map<(d0, d1) -> (0)>
module attributes {stable_mosaic.version = 14 : i64} {
  func.func @_gather_body(%arg0: i32, %arg1: i32, %arg2: memref<10240x128xf32, #tpu.memory_space<hbm>>, %arg3: memref<10240xf32, #tpu.memory_space<hbm>>, %arg4: memref<640000xi32, #tpu.memory_space<hbm>>, %arg5: memref<640000x128xf32, #tpu.memory_space<hbm>>, %arg6: memref<640000xf32, #tpu.memory_space<hbm>>, %arg7: memref<128xi32, #tpu.memory_space<vmem>>, %arg8: memref<128x128xf32, #tpu.memory_space<vmem>>, %arg9: memref<128xf32, #tpu.memory_space<vmem>>, %arg10: memref<!tpu.dma_semaphore, #tpu.memory_space<semaphore_mem>>, %arg11: memref<!tpu.dma_semaphore, #tpu.memory_space<semaphore_mem>>) attributes {dimension_semantics = [#tpu.dimension_semantics<core_parallel>, #tpu.dimension_semantics<subcore_parallel>], iteration_bounds = array<i64: 2, 16>, scalar_prefetch = 0 : i64, scratch_operands = 5 : i64, tpu.core_type = #tpu.core_type<sc_vector_subcore>, window_params = [{transform_indices = #map}, {transform_indices = #map1}, {transform_indices = #map1}, {transform_indices = #map}, {transform_indices = #map1}]} {
    %scan3A = arith.constant 0 : i32
    %scan3A_0 = arith.constant 0 : i32
    %scan3A_1 = arith.constant 157 : i32
    %scan3A_2 = arith.addi %scan3A_0, %scan3A_1 : i32
    %scan3A_3 = arith.constant 1 : i32
    scf.for %scan3A_5 = %scan3A_0 to %scan3A_2 step %scan3A_3  : i32 {
      %mul3A = arith.constant 16 : i32
      %mul3A_6 = arith.muli %scan3A_5, %mul3A : i32
      %add3A = arith.addi %arg1, %mul3A_6 : i32
      %lt3A = arith.constant 2500 : i32
      %lt3A_7 = arith.cmpi slt, %add3A, %lt3A : i32
      %convert_element_type3A = arith.extui %lt3A_7 : i1 to i32
      %cond3A = arith.constant 0 : i32
      %cond3A_8 = arith.cmpi ne, %convert_element_type3A, %cond3A : i32
      scf.if %cond3A_8 {
        %mul3A_9 = arith.constant 320000 : i32
        %mul3A_10 = arith.muli %arg0, %mul3A_9 : i32
        %mul3A_11 = arith.constant 128 : i32
        %mul3A_12 = arith.muli %add3A, %mul3A_11 : i32
        %add3A_13 = arith.addi %mul3A_10, %mul3A_12 : i32
        "tpu.region"() ({
          %run_scoped3A = tpu.sem_alloc : memref<!tpu.dma_semaphore, #tpu.memory_space<semaphore_mem>>
          %dma_start3A_22 = tpu.memref_slice %arg4[%add3A_13] : memref<640000xi32, #tpu.memory_space<hbm>> -> memref<128xi32, #tpu.memory_space<hbm>>
          %dma_start3A_23 = tpu.memref_slice %arg4[%add3A_13] : memref<640000xi32, #tpu.memory_space<hbm>> -> memref<128xi32, #tpu.memory_space<hbm>>
          tpu.enqueue_dma source(%dma_start3A_23 : memref<128xi32, #tpu.memory_space<hbm>>) target(%arg7 : memref<128xi32, #tpu.memory_space<vmem>>) target_semaphore(%run_scoped3A : memref<!tpu.dma_semaphore, #tpu.memory_space<semaphore_mem>>)
          %dma_wait3A_24 = tpu.memref_slice %arg4[%add3A_13] : memref<640000xi32, #tpu.memory_space<hbm>> -> memref<128xi32, #tpu.memory_space<hbm>>
          %dma_wait3A_25 = tpu.memref_slice %arg4[%add3A_13] : memref<640000xi32, #tpu.memory_space<hbm>> -> memref<128xi32, #tpu.memory_space<hbm>>
          tpu.wait_dma2 semaphore(%run_scoped3A : memref<!tpu.dma_semaphore, #tpu.memory_space<semaphore_mem>>) src(%dma_wait3A_25 : memref<128xi32, #tpu.memory_space<hbm>>) dst(%arg7 : memref<128xi32, #tpu.memory_space<vmem>>)
          tpu.yield
        }) : () -> ()
        %dma_start3A = arith.constant 0 : i32
        %dma_start3A_14 = arith.constant 0 : i32
        %dma_start3A_15 = tpu.memref_slice %arg2[%dma_start3A, %dma_start3A_14] : memref<10240x128xf32, #tpu.memory_space<hbm>> -> memref<10240x128xf32, #tpu.memory_space<hbm>>
        tpu.enqueue_indirect_dma source(%dma_start3A_15 : memref<10240x128xf32, #tpu.memory_space<hbm>>) target(%arg8 : memref<128x128xf32, #tpu.memory_space<vmem>>) offsets(%arg7 : memref<128xi32, #tpu.memory_space<vmem>>) semaphore(%arg10 : memref<!tpu.dma_semaphore, #tpu.memory_space<semaphore_mem>>)
        %dma_start3A_16 = arith.constant 0 : i32
        %dma_start3A_17 = tpu.memref_slice %arg3[%dma_start3A_16] : memref<10240xf32, #tpu.memory_space<hbm>> -> memref<10240xf32, #tpu.memory_space<hbm>>
        tpu.enqueue_indirect_dma source(%dma_start3A_17 : memref<10240xf32, #tpu.memory_space<hbm>>) target(%arg9 : memref<128xf32, #tpu.memory_space<vmem>>) offsets(%arg7 : memref<128xi32, #tpu.memory_space<vmem>>) semaphore(%arg11 : memref<!tpu.dma_semaphore, #tpu.memory_space<semaphore_mem>>)
        %dma_wait3A = arith.constant 0 : i32
        %dma_wait3A_18 = arith.constant 0 : i32
        %dma_wait3A_19 = tpu.memref_slice %arg2[%dma_wait3A, %dma_wait3A_18] : memref<10240x128xf32, #tpu.memory_space<hbm>> -> memref<10240x128xf32, #tpu.memory_space<hbm>>
        tpu.wait_indirect_dma semaphore(%arg10 : memref<!tpu.dma_semaphore, #tpu.memory_space<semaphore_mem>>) src(%dma_wait3A_19 : memref<10240x128xf32, #tpu.memory_space<hbm>>) dst(%arg8 : memref<128x128xf32, #tpu.memory_space<vmem>>)
        %dma_wait3A_20 = arith.constant 0 : i32
        %dma_wait3A_21 = tpu.memref_slice %arg3[%dma_wait3A_20] : memref<10240xf32, #tpu.memory_space<hbm>> -> memref<10240xf32, #tpu.memory_space<hbm>>
        tpu.wait_indirect_dma semaphore(%arg11 : memref<!tpu.dma_semaphore, #tpu.memory_space<semaphore_mem>>) src(%dma_wait3A_21 : memref<10240xf32, #tpu.memory_space<hbm>>) dst(%arg9 : memref<128xf32, #tpu.memory_space<vmem>>)
        "tpu.region"() ({
          %run_scoped3A = tpu.sem_alloc : memref<!tpu.dma_semaphore, #tpu.memory_space<semaphore_mem>>
          %dma_start3A_22 = arith.constant 0 : i32
          %dma_start3A_23 = tpu.memref_slice %arg5[%add3A_13, %dma_start3A_22] : memref<640000x128xf32, #tpu.memory_space<hbm>> -> memref<128x128xf32, #tpu.memory_space<hbm>>
          %dma_start3A_24 = arith.constant 0 : i32
          %dma_start3A_25 = tpu.memref_slice %arg5[%add3A_13, %dma_start3A_24] : memref<640000x128xf32, #tpu.memory_space<hbm>> -> memref<128x128xf32, #tpu.memory_space<hbm>>
          tpu.enqueue_dma source(%arg8 : memref<128x128xf32, #tpu.memory_space<vmem>>) target(%dma_start3A_25 : memref<128x128xf32, #tpu.memory_space<hbm>>) target_semaphore(%run_scoped3A : memref<!tpu.dma_semaphore, #tpu.memory_space<semaphore_mem>>)
          %dma_wait3A_26 = arith.constant 0 : i32
          %dma_wait3A_27 = tpu.memref_slice %arg5[%add3A_13, %dma_wait3A_26] : memref<640000x128xf32, #tpu.memory_space<hbm>> -> memref<128x128xf32, #tpu.memory_space<hbm>>
          %dma_wait3A_28 = arith.constant 0 : i32
          %dma_wait3A_29 = tpu.memref_slice %arg5[%add3A_13, %dma_wait3A_28] : memref<640000x128xf32, #tpu.memory_space<hbm>> -> memref<128x128xf32, #tpu.memory_space<hbm>>
          tpu.wait_dma2 semaphore(%run_scoped3A : memref<!tpu.dma_semaphore, #tpu.memory_space<semaphore_mem>>) src(%arg8 : memref<128x128xf32, #tpu.memory_space<vmem>>) dst(%dma_wait3A_29 : memref<128x128xf32, #tpu.memory_space<hbm>>)
          tpu.yield
        }) : () -> ()
        "tpu.region"() ({
          %run_scoped3A = tpu.sem_alloc : memref<!tpu.dma_semaphore, #tpu.memory_space<semaphore_mem>>
          %dma_start3A_22 = tpu.memref_slice %arg6[%add3A_13] : memref<640000xf32, #tpu.memory_space<hbm>> -> memref<128xf32, #tpu.memory_space<hbm>>
          %dma_start3A_23 = tpu.memref_slice %arg6[%add3A_13] : memref<640000xf32, #tpu.memory_space<hbm>> -> memref<128xf32, #tpu.memory_space<hbm>>
          tpu.enqueue_dma source(%arg9 : memref<128xf32, #tpu.memory_space<vmem>>) target(%dma_start3A_23 : memref<128xf32, #tpu.memory_space<hbm>>) target_semaphore(%run_scoped3A : memref<!tpu.dma_semaphore, #tpu.memory_space<semaphore_mem>>)
          %dma_wait3A_24 = tpu.memref_slice %arg6[%add3A_13] : memref<640000xf32, #tpu.memory_space<hbm>> -> memref<128xf32, #tpu.memory_space<hbm>>
          %dma_wait3A_25 = tpu.memref_slice %arg6[%add3A_13] : memref<640000xf32, #tpu.memory_space<hbm>> -> memref<128xf32, #tpu.memory_space<hbm>>
          tpu.wait_dma2 semaphore(%run_scoped3A : memref<!tpu.dma_semaphore, #tpu.memory_space<semaphore_mem>>) src(%arg9 : memref<128xf32, #tpu.memory_space<vmem>>) dst(%dma_wait3A_25 : memref<128xf32, #tpu.memory_space<hbm>>)
          tpu.yield
        }) : () -> ()
      } else {
      }
    }
    %scan3A_4 = arith.constant 157 : i32
    return
  }
}

module attributes {stable_mosaic.version = 14 : i64} {
  func.func @_combine_body(%arg0: i32, %arg1: memref<1024x128xf32, #tpu.memory_space<vmem>>, %arg2: memref<1024x128xf32, #tpu.memory_space<vmem>>, %arg3: memref<8x128xf32, #tpu.memory_space<vmem>>, %arg4: memref<8x128xf32, #tpu.memory_space<vmem>>, %arg5: memref<1024x128xf32, #tpu.memory_space<vmem>>, %arg6: memref<8x128xf32, #tpu.memory_space<vmem>>) attributes {dimension_semantics = [#tpu.dimension_semantics<arbitrary>], iteration_bounds = array<i64: 10>, scalar_prefetch = 0 : i64, scratch_operands = 0 : i64, tpu.core_type = #tpu.core_type<tc>, window_params = [{transform_indices = @transform_0, window_bounds = array<i64: 1024, 128>}, {transform_indices = @transform_1, window_bounds = array<i64: 1024, 128>}, {transform_indices = @transform_2, window_bounds = array<i64: 8, 128>}, {transform_indices = @transform_3, window_bounds = array<i64: 8, 128>}, {transform_indices = @transform_4, window_bounds = array<i64: 1024, 128>}, {transform_indices = @transform_5, window_bounds = array<i64: 8, 128>}]} {
    %get3A = arith.constant 0 : index
    %get3A_0 = arith.constant 0 : index
    %get3A_1 = vector.load %arg1[%get3A, %get3A_0] : memref<1024x128xf32, #tpu.memory_space<vmem>>, vector<1024x128xf32>
    %get3A_2 = arith.constant 0 : index
    %get3A_3 = arith.constant 0 : index
    %get3A_4 = vector.load %arg2[%get3A_2, %get3A_3] : memref<1024x128xf32, #tpu.memory_space<vmem>>, vector<1024x128xf32>
    %add3A = arith.addf %get3A_1, %get3A_4 : vector<1024x128xf32>
    %swap3A = arith.constant 0 : index
    %swap3A_5 = arith.constant 0 : index
    %swap3A_6 = vector.load %arg5[%swap3A, %swap3A_5] : memref<1024x128xf32, #tpu.memory_space<vmem>>, vector<1024x128xf32>
    tpu.vector_store %arg5[%swap3A, %swap3A_5], %add3A {strides = array<i32>} : memref<1024x128xf32, #tpu.memory_space<vmem>>, vector<1024x128xf32>,
    %get3A_7 = arith.constant 0 : index
    %get3A_8 = arith.constant 0 : index
    %get3A_9 = vector.load %arg3[%get3A_7, %get3A_8] : memref<8x128xf32, #tpu.memory_space<vmem>>, vector<8x128xf32>
    %get3A_10 = arith.constant 0 : index
    %get3A_11 = arith.constant 0 : index
    %get3A_12 = vector.load %arg4[%get3A_10, %get3A_11] : memref<8x128xf32, #tpu.memory_space<vmem>>, vector<8x128xf32>
    %add3A_13 = arith.addf %get3A_9, %get3A_12 : vector<8x128xf32>
    %swap3A_14 = arith.constant 0 : index
    %swap3A_15 = arith.constant 0 : index
    %swap3A_16 = vector.load %arg6[%swap3A_14, %swap3A_15] : memref<8x128xf32, #tpu.memory_space<vmem>>, vector<8x128xf32>
    tpu.vector_store %arg6[%swap3A_14, %swap3A_15], %add3A_13 {strides = array<i32>} : memref<8x128xf32, #tpu.memory_space<vmem>>, vector<8x128xf32>,
    return
  }
  func.func @transform_0(%arg0: i32) -> (i32, i32) {
    %c0_i32 = arith.constant 0 : i32
    %c0_i32_0 = arith.constant 0 : i32
    return %arg0, %c0_i32 : i32, i32
  }
  func.func @transform_1(%arg0: i32) -> (i32, i32) {
    %add3A = arith.constant 10 : i32
    %add3A_0 = arith.addi %add3A, %arg0 : i32
    %c0_i32 = arith.constant 0 : i32
    %c0_i32_1 = arith.constant 0 : i32
    return %add3A_0, %c0_i32 : i32, i32
  }
  func.func @transform_2(%arg0: i32) -> (i32, i32) {
    %c0_i32 = arith.constant 0 : i32
    %c0_i32_0 = arith.constant 0 : i32
    return %arg0, %c0_i32 : i32, i32
  }
  func.func @transform_3(%arg0: i32) -> (i32, i32) {
    %add3A = arith.constant 10 : i32
    %add3A_0 = arith.addi %add3A, %arg0 : i32
    %c0_i32 = arith.constant 0 : i32
    %c0_i32_1 = arith.constant 0 : i32
    return %add3A_0, %c0_i32 : i32, i32
  }
  func.func @transform_4(%arg0: i32) -> (i32, i32) {
    %c0_i32 = arith.constant 0 : i32
    %c0_i32_0 = arith.constant 0 : i32
    return %arg0, %c0_i32 : i32, i32
  }
  func.func @transform_5(%arg0: i32) -> (i32, i32) {
    %c0_i32 = arith.constant 0 : i32
    %c0_i32_0 = arith.constant 0 : i32
    return %arg0, %c0_i32 : i32, i32
  }
}

module attributes {stable_mosaic.version = 14 : i64} {
  func.func @_final_body(%arg0: i32, %arg1: memref<2560x128xf32, #tpu.memory_space<vmem>>, %arg2: memref<2560x128xf32, #tpu.memory_space<vmem>>, %arg3: memref<2560x128xf32, #tpu.memory_space<vmem>>, %arg4: memref<24x128xf32, #tpu.memory_space<vmem>>, %arg5: memref<24x128xf32, #tpu.memory_space<vmem>>, %arg6: memref<24x128xi32, #tpu.memory_space<vmem>>, %arg7: memref<24x128xi32, #tpu.memory_space<vmem>>, %arg8: memref<128x128xf32, #tpu.memory_space<vmem>>, %arg9: memref<1x128xf32, #tpu.memory_space<vmem>>, %arg10: memref<128x128xf32, #tpu.memory_space<vmem>>, %arg11: memref<1x128xf32, #tpu.memory_space<vmem>>, %arg12: memref<1x128xf32, #tpu.memory_space<vmem>>, %arg13: memref<1x1xf32, #tpu.memory_space<vmem>>, %arg14: memref<2560x128xf32, #tpu.memory_space<vmem>>) attributes {dimension_semantics = [#tpu.dimension_semantics<arbitrary>], iteration_bounds = array<i64: 125>, scalar_prefetch = 0 : i64, scratch_operands = 0 : i64, tpu.core_type = #tpu.core_type<tc>, window_params = [{transform_indices = @transform_0, window_bounds = array<i64: 2560, 128>}, {transform_indices = @transform_1, window_bounds = array<i64: 2560, 128>}, {transform_indices = @transform_2, window_bounds = array<i64: 2560, 128>}, {transform_indices = @transform_3, window_bounds = array<i64: 24, 128>}, {transform_indices = @transform_4, window_bounds = array<i64: 24, 128>}, {transform_indices = @transform_5, window_bounds = array<i64: 24, 128>}, {transform_indices = @transform_6, window_bounds = array<i64: 24, 128>}, {pipeline_mode = #tpu.pipeline_mode<synchronous>, transform_indices = @transform_7, window_bounds = array<i64: 128, 128>}, {pipeline_mode = #tpu.pipeline_mode<synchronous>, transform_indices = @transform_8, window_bounds = array<i64: 1, 128>}, {pipeline_mode = #tpu.pipeline_mode<synchronous>, transform_indices = @transform_9, window_bounds = array<i64: 128, 128>}, {pipeline_mode = #tpu.pipeline_mode<synchronous>, transform_indices = @transform_10, window_bounds = array<i64: 1, 128>}, {pipeline_mode = #tpu.pipeline_mode<synchronous>, transform_indices = @transform_11, window_bounds = array<i64: 1, 128>}, {pipeline_mode = #tpu.pipeline_mode<synchronous>, transform_indices = @transform_12, window_bounds = array<i64: 1, 1>}, {transform_indices = @transform_13, window_bounds = array<i64: 2560, 128>}]} {
    %get3A = arith.constant 0 : index
    %get3A_0 = arith.constant 0 : index
    %get3A_1 = vector.load %arg1[%get3A, %get3A_0] : memref<2560x128xf32, #tpu.memory_space<vmem>>, vector<2560x128xf32>
    %get3A_2 = arith.constant 0 : index
    %get3A_3 = arith.constant 0 : index
    %get3A_4 = vector.load %arg4[%get3A_2, %get3A_3] : memref<24x128xf32, #tpu.memory_space<vmem>>, vector<24x128xf32>
    %broadcast_in_dim3A = vector.shape_cast %get3A_4 : vector<24x128xf32> to vector<24x1x128xf32>
    %broadcast_in_dim3A_5 = vector.shape_cast %broadcast_in_dim3A : vector<24x1x128xf32> to vector<24x1x128xf32>
    %broadcast_in_dim3A_6 = vector.broadcast %broadcast_in_dim3A_5 : vector<24x1x128xf32> to vector<24x128x128xf32>
    %reshape3A = vector.shape_cast %broadcast_in_dim3A_6 : vector<24x128x128xf32> to vector<3072x128xf32>
    %iota3A = tpu.iota {dimensions = array<i32: 1>} : vector<3072x128xi32>
    %iota3A_7 = tpu.iota {dimensions = array<i32: 0>} : vector<3072x128xi32>
    %jit3A = arith.constant 128 : i32
    %eq3A = arith.constant 0 : i32
    %eq3A_8 = arith.cmpi eq, %jit3A, %eq3A : i32
    %jit3A_9 = arith.constant 1 : i32
    %select_n3A = arith.select %eq3A_8, %jit3A_9, %jit3A : i32
    %rem3A = vector.broadcast %select_n3A : i32 to vector<3072x128xi32>
    %rem3A_10 = arith.remsi %iota3A_7, %rem3A : vector<3072x128xi32>
    %ne3A = arith.constant 0 : i32
    %ne3A_11 = vector.broadcast %ne3A : i32 to vector<3072x128xi32>
    %ne3A_12 = arith.cmpi ne, %rem3A_10, %ne3A_11 : vector<3072x128xi32>
    %lt3A = arith.constant 0 : i32
    %lt3A_13 = vector.broadcast %lt3A : i32 to vector<3072x128xi32>
    %lt3A_14 = arith.cmpi slt, %rem3A_10, %lt3A_13 : vector<3072x128xi32>
    %lt3A_15 = arith.constant 0 : i32
    %lt3A_16 = arith.cmpi slt, %select_n3A, %lt3A_15 : i32
    %ne3A_17 = vector.broadcast %lt3A_16 : i1 to vector<3072x128xi1>
    %ne3A_18 = vector.broadcast %ne3A_17 : vector<3072x128xi1> to vector<3072x128xi1>
    %ne3A_19 = arith.xori %lt3A_14, %ne3A_18 : vector<3072x128xi1>
    %and3A = arith.andi %ne3A_19, %ne3A_12 : vector<3072x128xi1>
    %add3A = vector.broadcast %select_n3A : i32 to vector<3072x128xi32>
    %add3A_20 = arith.addi %rem3A_10, %add3A : vector<3072x128xi32>
    %select_n3A_21 = arith.select %and3A, %add3A_20, %rem3A_10 : vector<3072x128xi1>, vector<3072x128xi32>
    %eq3A_22 = arith.cmpi eq, %iota3A, %select_n3A_21 : vector<3072x128xi32>
    %jit3A_23 = arith.constant 0.000000e+00 : f32
    %broadcast_in_dim3A_24 = vector.broadcast %jit3A_23 : f32 to vector<3072x128xf32>
    %select_n3A_25 = arith.select %eq3A_22, %reshape3A, %broadcast_in_dim3A_24 : vector<3072x128xi1>, vector<3072x128xf32>
    %reduce_sum3A = arith.constant dense<0.000000e+00> : vector<3072xf32>
    %reduce_sum3A_26 = vector.multi_reduction <add>, %select_n3A_25, %reduce_sum3A [1] : vector<3072x128xf32> to vector<3072xf32>
    %broadcast_in_dim3A_27 = vector.shape_cast %reduce_sum3A_26 : vector<3072xf32> to vector<3072x1xf32>
    %slice3A = vector.extract_strided_slice %broadcast_in_dim3A_27 {offsets = [0, 0], sizes = [2560, 1], strides = [1, 1]} : vector<3072x1xf32> to vector<2560x1xf32>
    %sub3A = arith.constant 1.000000e+00 : f32
    %sub3A_28 = vector.broadcast %sub3A : f32 to vector<2560x1xf32>
    %sub3A_29 = arith.subf %slice3A, %sub3A_28 : vector<2560x1xf32>
    %get3A_30 = arith.constant 0 : index
    %get3A_31 = arith.constant 0 : index
    %get3A_32 = vector.load %arg2[%get3A_30, %get3A_31] : memref<2560x128xf32, #tpu.memory_space<vmem>>, vector<2560x128xf32>
    %sub3A_33 = arith.subf %get3A_32, %get3A_1 : vector<2560x128xf32>
    %gt3A = arith.constant 0.000000e+00 : f32
    %gt3A_34 = vector.broadcast %gt3A : f32 to vector<2560x1xf32>
    %gt3A_35 = arith.cmpf ogt, %sub3A_29, %gt3A_34 : vector<2560x1xf32>
    %max3A = arith.constant 1.000000e+00 : f32
    %max3A_36 = vector.broadcast %max3A : f32 to vector<2560x1xf32>
    %max3A_37 = arith.maximumf %sub3A_29, %max3A_36 : vector<2560x1xf32>
    %div3A = vector.broadcast %max3A_37 : vector<2560x1xf32> to vector<2560x128xf32>
    %div3A_38 = arith.divf %sub3A_33, %div3A : vector<2560x128xf32>
    %jit3A_39 = arith.constant 0.000000e+00 : f32
    %broadcast_in_dim3A_40 = vector.shape_cast %gt3A_35 : vector<2560x1xi1> to vector<2560x1xi1>
    %broadcast_in_dim3A_41 = vector.broadcast %broadcast_in_dim3A_40 : vector<2560x1xi1> to vector<2560x128xi1>
    %broadcast_in_dim3A_42 = vector.broadcast %jit3A_39 : f32 to vector<2560x128xf32>
    %select_n3A_43 = arith.select %broadcast_in_dim3A_41, %div3A_38, %broadcast_in_dim3A_42 : vector<2560x128xi1>, vector<2560x128xf32>
    %get3A_44 = arith.constant 0 : index
    %get3A_45 = arith.constant 0 : index
    %get3A_46 = vector.load %arg6[%get3A_44, %get3A_45] : memref<24x128xi32, #tpu.memory_space<vmem>>, vector<24x128xi32>
    %get3A_47 = arith.constant 0 : index
    %get3A_48 = arith.constant 0 : index
    %get3A_49 = vector.load %arg7[%get3A_47, %get3A_48] : memref<24x128xi32, #tpu.memory_space<vmem>>, vector<24x128xi32>
    %eq3A_50 = arith.cmpi eq, %get3A_46, %get3A_49 : vector<24x128xi32>
    %convert_element_type3A = arith.extui %eq3A_50 : vector<24x128xi1> to vector<24x128xi32>
    %convert_element_type3A_51 = arith.sitofp %convert_element_type3A : vector<24x128xi32> to vector<24x128xf32>
    %broadcast_in_dim3A_52 = vector.shape_cast %convert_element_type3A_51 : vector<24x128xf32> to vector<24x1x128xf32>
    %broadcast_in_dim3A_53 = vector.shape_cast %broadcast_in_dim3A_52 : vector<24x1x128xf32> to vector<24x1x128xf32>
    %broadcast_in_dim3A_54 = vector.broadcast %broadcast_in_dim3A_53 : vector<24x1x128xf32> to vector<24x128x128xf32>
    %reshape3A_55 = vector.shape_cast %broadcast_in_dim3A_54 : vector<24x128x128xf32> to vector<3072x128xf32>
    %iota3A_56 = tpu.iota {dimensions = array<i32: 1>} : vector<3072x128xi32>
    %iota3A_57 = tpu.iota {dimensions = array<i32: 0>} : vector<3072x128xi32>
    %jit3A_58 = arith.constant 128 : i32
    %eq3A_59 = arith.constant 0 : i32
    %eq3A_60 = arith.cmpi eq, %jit3A_58, %eq3A_59 : i32
    %jit3A_61 = arith.constant 1 : i32
    %select_n3A_62 = arith.select %eq3A_60, %jit3A_61, %jit3A_58 : i32
    %rem3A_63 = vector.broadcast %select_n3A_62 : i32 to vector<3072x128xi32>
    %rem3A_64 = arith.remsi %iota3A_57, %rem3A_63 : vector<3072x128xi32>
    %ne3A_65 = arith.constant 0 : i32
    %ne3A_66 = vector.broadcast %ne3A_65 : i32 to vector<3072x128xi32>
    %ne3A_67 = arith.cmpi ne, %rem3A_64, %ne3A_66 : vector<3072x128xi32>
    %lt3A_68 = arith.constant 0 : i32
    %lt3A_69 = vector.broadcast %lt3A_68 : i32 to vector<3072x128xi32>
    %lt3A_70 = arith.cmpi slt, %rem3A_64, %lt3A_69 : vector<3072x128xi32>
    %lt3A_71 = arith.constant 0 : i32
    %lt3A_72 = arith.cmpi slt, %select_n3A_62, %lt3A_71 : i32
    %ne3A_73 = vector.broadcast %lt3A_72 : i1 to vector<3072x128xi1>
    %ne3A_74 = vector.broadcast %ne3A_73 : vector<3072x128xi1> to vector<3072x128xi1>
    %ne3A_75 = arith.xori %lt3A_70, %ne3A_74 : vector<3072x128xi1>
    %and3A_76 = arith.andi %ne3A_75, %ne3A_67 : vector<3072x128xi1>
    %add3A_77 = vector.broadcast %select_n3A_62 : i32 to vector<3072x128xi32>
    %add3A_78 = arith.addi %rem3A_64, %add3A_77 : vector<3072x128xi32>
    %select_n3A_79 = arith.select %and3A_76, %add3A_78, %rem3A_64 : vector<3072x128xi1>, vector<3072x128xi32>
    %eq3A_80 = arith.cmpi eq, %iota3A_56, %select_n3A_79 : vector<3072x128xi32>
    %jit3A_81 = arith.constant 0.000000e+00 : f32
    %broadcast_in_dim3A_82 = vector.broadcast %jit3A_81 : f32 to vector<3072x128xf32>
    %select_n3A_83 = arith.select %eq3A_80, %reshape3A_55, %broadcast_in_dim3A_82 : vector<3072x128xi1>, vector<3072x128xf32>
    %reduce_sum3A_84 = arith.constant dense<0.000000e+00> : vector<3072xf32>
    %reduce_sum3A_85 = vector.multi_reduction <add>, %select_n3A_83, %reduce_sum3A_84 [1] : vector<3072x128xf32> to vector<3072xf32>
    %broadcast_in_dim3A_86 = vector.shape_cast %reduce_sum3A_85 : vector<3072xf32> to vector<3072x1xf32>
    %slice3A_87 = vector.extract_strided_slice %broadcast_in_dim3A_86 {offsets = [0, 0], sizes = [2560, 1], strides = [1, 1]} : vector<3072x1xf32> to vector<2560x1xf32>
    %get3A_88 = arith.constant 0 : index
    %get3A_89 = arith.constant 0 : index
    %get3A_90 = vector.load %arg5[%get3A_88, %get3A_89] : memref<24x128xf32, #tpu.memory_space<vmem>>, vector<24x128xf32>
    %broadcast_in_dim3A_91 = vector.shape_cast %get3A_90 : vector<24x128xf32> to vector<24x1x128xf32>
    %broadcast_in_dim3A_92 = vector.shape_cast %broadcast_in_dim3A_91 : vector<24x1x128xf32> to vector<24x1x128xf32>
    %broadcast_in_dim3A_93 = vector.broadcast %broadcast_in_dim3A_92 : vector<24x1x128xf32> to vector<24x128x128xf32>
    %reshape3A_94 = vector.shape_cast %broadcast_in_dim3A_93 : vector<24x128x128xf32> to vector<3072x128xf32>
    %iota3A_95 = tpu.iota {dimensions = array<i32: 1>} : vector<3072x128xi32>
    %iota3A_96 = tpu.iota {dimensions = array<i32: 0>} : vector<3072x128xi32>
    %jit3A_97 = arith.constant 128 : i32
    %eq3A_98 = arith.constant 0 : i32
    %eq3A_99 = arith.cmpi eq, %jit3A_97, %eq3A_98 : i32
    %jit3A_100 = arith.constant 1 : i32
    %select_n3A_101 = arith.select %eq3A_99, %jit3A_100, %jit3A_97 : i32
    %rem3A_102 = vector.broadcast %select_n3A_101 : i32 to vector<3072x128xi32>
    %rem3A_103 = arith.remsi %iota3A_96, %rem3A_102 : vector<3072x128xi32>
    %ne3A_104 = arith.constant 0 : i32
    %ne3A_105 = vector.broadcast %ne3A_104 : i32 to vector<3072x128xi32>
    %ne3A_106 = arith.cmpi ne, %rem3A_103, %ne3A_105 : vector<3072x128xi32>
    %lt3A_107 = arith.constant 0 : i32
    %lt3A_108 = vector.broadcast %lt3A_107 : i32 to vector<3072x128xi32>
    %lt3A_109 = arith.cmpi slt, %rem3A_103, %lt3A_108 : vector<3072x128xi32>
    %lt3A_110 = arith.constant 0 : i32
    %lt3A_111 = arith.cmpi slt, %select_n3A_101, %lt3A_110 : i32
    %ne3A_112 = vector.broadcast %lt3A_111 : i1 to vector<3072x128xi1>
    %ne3A_113 = vector.broadcast %ne3A_112 : vector<3072x128xi1> to vector<3072x128xi1>
    %ne3A_114 = arith.xori %lt3A_109, %ne3A_113 : vector<3072x128xi1>
    %and3A_115 = arith.andi %ne3A_114, %ne3A_106 : vector<3072x128xi1>
    %add3A_116 = vector.broadcast %select_n3A_101 : i32 to vector<3072x128xi32>
    %add3A_117 = arith.addi %rem3A_103, %add3A_116 : vector<3072x128xi32>
    %select_n3A_118 = arith.select %and3A_115, %add3A_117, %rem3A_103 : vector<3072x128xi1>, vector<3072x128xi32>
    %eq3A_119 = arith.cmpi eq, %iota3A_95, %select_n3A_118 : vector<3072x128xi32>
    %jit3A_120 = arith.constant 0.000000e+00 : f32
    %broadcast_in_dim3A_121 = vector.broadcast %jit3A_120 : f32 to vector<3072x128xf32>
    %select_n3A_122 = arith.select %eq3A_119, %reshape3A_94, %broadcast_in_dim3A_121 : vector<3072x128xi1>, vector<3072x128xf32>
    %reduce_sum3A_123 = arith.constant dense<0.000000e+00> : vector<3072xf32>
    %reduce_sum3A_124 = vector.multi_reduction <add>, %select_n3A_122, %reduce_sum3A_123 [1] : vector<3072x128xf32> to vector<3072xf32>
    %broadcast_in_dim3A_125 = vector.shape_cast %reduce_sum3A_124 : vector<3072xf32> to vector<3072x1xf32>
    %slice3A_126 = vector.extract_strided_slice %broadcast_in_dim3A_125 {offsets = [0, 0], sizes = [2560, 1], strides = [1, 1]} : vector<3072x1xf32> to vector<2560x1xf32>
    %sub3A_127 = arith.subf %slice3A_126, %slice3A_87 : vector<2560x1xf32>
    %get3A_128 = arith.constant 0 : index
    %get3A_129 = arith.constant 0 : index
    %get3A_130 = vector.load %arg3[%get3A_128, %get3A_129] : memref<2560x128xf32, #tpu.memory_space<vmem>>, vector<2560x128xf32>
    %mul3A = vector.broadcast %slice3A_87 : vector<2560x1xf32> to vector<2560x128xf32>
    %mul3A_131 = arith.mulf %mul3A, %get3A_1 : vector<2560x128xf32>
    %sub3A_132 = arith.subf %get3A_130, %mul3A_131 : vector<2560x128xf32>
    %gt3A_133 = arith.constant 0.000000e+00 : f32
    %gt3A_134 = vector.broadcast %gt3A_133 : f32 to vector<2560x1xf32>
    %gt3A_135 = arith.cmpf ogt, %sub3A_127, %gt3A_134 : vector<2560x1xf32>
    %max3A_136 = arith.constant 1.000000e+00 : f32
    %max3A_137 = vector.broadcast %max3A_136 : f32 to vector<2560x1xf32>
    %max3A_138 = arith.maximumf %sub3A_127, %max3A_137 : vector<2560x1xf32>
    %div3A_139 = vector.broadcast %max3A_138 : vector<2560x1xf32> to vector<2560x128xf32>
    %div3A_140 = arith.divf %sub3A_132, %div3A_139 : vector<2560x128xf32>
    %jit3A_141 = arith.constant 0.000000e+00 : f32
    %broadcast_in_dim3A_142 = vector.shape_cast %gt3A_135 : vector<2560x1xi1> to vector<2560x1xi1>
    %broadcast_in_dim3A_143 = vector.broadcast %broadcast_in_dim3A_142 : vector<2560x1xi1> to vector<2560x128xi1>
    %broadcast_in_dim3A_144 = vector.broadcast %jit3A_141 : f32 to vector<2560x128xf32>
    %select_n3A_145 = arith.select %broadcast_in_dim3A_143, %div3A_140, %broadcast_in_dim3A_144 : vector<2560x128xi1>, vector<2560x128xf32>
    %get3A_146 = arith.constant 0 : index
    %get3A_147 = arith.constant 0 : index
    %get3A_148 = vector.load %arg8[%get3A_146, %get3A_147] : memref<128x128xf32, #tpu.memory_space<vmem>>, vector<128x128xf32>
    %dot_general3A = arith.constant dense<0.000000e+00> : vector<2560x128xf32>
    %dot_general3A_149 = tpu.matmul %select_n3A_43, %get3A_148, %dot_general3A {dimension_numbers = #tpu.dot_dimension_numbers<[1], [0], [0], [1], [0, 0, 1, 1], [], []>, transpose_lhs_hint = false} : vector<2560x128xf32>, vector<128x128xf32>, vector<2560x128xf32> -> vector<2560x128xf32>
    %get3A_150 = arith.constant 0 : index
    %get3A_151 = arith.constant 0 : index
    %get3A_152 = vector.load %arg9[%get3A_150, %get3A_151] : memref<1x128xf32, #tpu.memory_space<vmem>>, vector<1x128xf32>
    %add3A_153 = vector.broadcast %get3A_152 : vector<1x128xf32> to vector<2560x128xf32>
    %add3A_154 = arith.addf %dot_general3A_149, %add3A_153 : vector<2560x128xf32>
    %get3A_155 = arith.constant 0 : index
    %get3A_156 = arith.constant 0 : index
    %get3A_157 = vector.load %arg10[%get3A_155, %get3A_156] : memref<128x128xf32, #tpu.memory_space<vmem>>, vector<128x128xf32>
    %dot_general3A_158 = arith.constant dense<0.000000e+00> : vector<2560x128xf32>
    %dot_general3A_159 = tpu.matmul %select_n3A_145, %get3A_157, %dot_general3A_158 {dimension_numbers = #tpu.dot_dimension_numbers<[1], [0], [0], [1], [0, 0, 1, 1], [], []>, transpose_lhs_hint = false} : vector<2560x128xf32>, vector<128x128xf32>, vector<2560x128xf32> -> vector<2560x128xf32>
    %get3A_160 = arith.constant 0 : index
    %get3A_161 = arith.constant 0 : index
    %get3A_162 = vector.load %arg11[%get3A_160, %get3A_161] : memref<1x128xf32, #tpu.memory_space<vmem>>, vector<1x128xf32>
    %add3A_163 = vector.broadcast %get3A_162 : vector<1x128xf32> to vector<2560x128xf32>
    %add3A_164 = arith.addf %dot_general3A_159, %add3A_163 : vector<2560x128xf32>
    %add3A_165 = arith.addf %add3A_154, %add3A_164 : vector<2560x128xf32>
    %get3A_166 = arith.constant 0 : index
    %get3A_167 = arith.constant 0 : index
    %get3A_168 = vector.load %arg12[%get3A_166, %get3A_167] : memref<1x128xf32, #tpu.memory_space<vmem>>, vector<1x128xf32>
    %mul3A_169 = vector.broadcast %get3A_168 : vector<1x128xf32> to vector<2560x128xf32>
    %mul3A_170 = arith.mulf %add3A_165, %mul3A_169 : vector<2560x128xf32>
    %reduce_sum3A_171 = arith.constant dense<0.000000e+00> : vector<2560xf32>
    %reduce_sum3A_172 = vector.multi_reduction <add>, %mul3A_170, %reduce_sum3A_171 [1] : vector<2560x128xf32> to vector<2560xf32>
    %broadcast_in_dim3A_173 = vector.shape_cast %reduce_sum3A_172 : vector<2560xf32> to vector<2560x1xf32>
    %get3A_174 = arith.constant 0 : index
    %get3A_175 = arith.constant 0 : index
    %get3A_176 = vector.load %arg13[%get3A_174, %get3A_175] : memref<1x1xf32, #tpu.memory_space<vmem>>, vector<1x1xf32>
    %add3A_177 = vector.broadcast %get3A_176 : vector<1x1xf32> to vector<2560x1xf32>
    %add3A_178 = arith.addf %broadcast_in_dim3A_173, %add3A_177 : vector<2560x1xf32>
    %logistic3A = arith.negf %add3A_178 : vector<2560x1xf32>
    %logistic3A_179 = math.exp %logistic3A : vector<2560x1xf32>
    %logistic3A_180 = arith.constant 1.000000e+00 : f32
    %logistic3A_181 = vector.broadcast %logistic3A_180 : f32 to vector<2560x1xf32>
    %logistic3A_182 = arith.addf %logistic3A_181, %logistic3A_179 : vector<2560x1xf32>
    %logistic3A_183 = arith.divf %logistic3A_181, %logistic3A_182 : vector<2560x1xf32>
    %mul3A_184 = vector.broadcast %logistic3A_183 : vector<2560x1xf32> to vector<2560x128xf32>
    %mul3A_185 = arith.mulf %mul3A_184, %add3A_154 : vector<2560x128xf32>
    %sub3A_186 = arith.constant 1.000000e+00 : f32
    %sub3A_187 = vector.broadcast %sub3A_186 : f32 to vector<2560x1xf32>
    %sub3A_188 = arith.subf %sub3A_187, %logistic3A_183 : vector<2560x1xf32>
    %mul3A_189 = vector.broadcast %sub3A_188 : vector<2560x1xf32> to vector<2560x128xf32>
    %mul3A_190 = arith.mulf %mul3A_189, %add3A_164 : vector<2560x128xf32>
    %add3A_191 = arith.addf %mul3A_185, %mul3A_190 : vector<2560x128xf32>
    %swap3A = arith.constant 0 : index
    %swap3A_192 = arith.constant 0 : index
    %swap3A_193 = vector.load %arg14[%swap3A, %swap3A_192] : memref<2560x128xf32, #tpu.memory_space<vmem>>, vector<2560x128xf32>
    tpu.vector_store %arg14[%swap3A, %swap3A_192], %add3A_191 {strides = array<i32>} : memref<2560x128xf32, #tpu.memory_space<vmem>>, vector<2560x128xf32>,
    return
  }
  func.func @transform_0(%arg0: i32) -> (i32, i32) {
    %add3A = arith.constant 0 : i32
    %add3A_0 = arith.addi %add3A, %arg0 : i32
    %c0_i32 = arith.constant 0 : i32
    %c0_i32_1 = arith.constant 0 : i32
    return %add3A_0, %c0_i32 : i32, i32
  }
  func.func @transform_1(%arg0: i32) -> (i32, i32) {
    %add3A = arith.constant 0 : i32
    %add3A_0 = arith.addi %add3A, %arg0 : i32
    %c0_i32 = arith.constant 0 : i32
    %c0_i32_1 = arith.constant 0 : i32
    return %add3A_0, %c0_i32 : i32, i32
  }
  func.func @transform_2(%arg0: i32) -> (i32, i32) {
    %add3A = arith.constant 125 : i32
    %add3A_0 = arith.addi %add3A, %arg0 : i32
    %c0_i32 = arith.constant 0 : i32
    %c0_i32_1 = arith.constant 0 : i32
    return %add3A_0, %c0_i32 : i32, i32
  }
  func.func @transform_3(%arg0: i32) -> (i32, i32) {
    %add3A = arith.constant 0 : i32
    %add3A_0 = arith.addi %add3A, %arg0 : i32
    %c0_i32 = arith.constant 0 : i32
    %c0_i32_1 = arith.constant 0 : i32
    return %add3A_0, %c0_i32 : i32, i32
  }
  func.func @transform_4(%arg0: i32) -> (i32, i32) {
    %add3A = arith.constant 125 : i32
    %add3A_0 = arith.addi %add3A, %arg0 : i32
    %c0_i32 = arith.constant 0 : i32
    %c0_i32_1 = arith.constant 0 : i32
    return %add3A_0, %c0_i32 : i32, i32
  }
  func.func @transform_5(%arg0: i32) -> (i32, i32) {
    %add3A = arith.constant 0 : i32
    %add3A_0 = arith.addi %add3A, %arg0 : i32
    %c0_i32 = arith.constant 0 : i32
    %c0_i32_1 = arith.constant 0 : i32
    return %add3A_0, %c0_i32 : i32, i32
  }
  func.func @transform_6(%arg0: i32) -> (i32, i32) {
    %add3A = arith.constant 0 : i32
    %add3A_0 = arith.addi %add3A, %arg0 : i32
    %c0_i32 = arith.constant 0 : i32
    %c0_i32_1 = arith.constant 0 : i32
    return %add3A_0, %c0_i32 : i32, i32
  }
  func.func @transform_7(%arg0: i32) -> (i32, i32) {
    %c0_i32 = arith.constant 0 : i32
    %c0_i32_0 = arith.constant 0 : i32
    %c0_i32_1 = arith.constant 0 : i32
    return %c0_i32, %c0_i32_0 : i32, i32
  }
  func.func @transform_8(%arg0: i32) -> (i32, i32) {
    %c0_i32 = arith.constant 0 : i32
    %c0_i32_0 = arith.constant 0 : i32
    %c0_i32_1 = arith.constant 0 : i32
    return %c0_i32, %c0_i32_0 : i32, i32
  }
  func.func @transform_9(%arg0: i32) -> (i32, i32) {
    %c0_i32 = arith.constant 0 : i32
    %c0_i32_0 = arith.constant 0 : i32
    %c0_i32_1 = arith.constant 0 : i32
    return %c0_i32, %c0_i32_0 : i32, i32
  }
  func.func @transform_10(%arg0: i32) -> (i32, i32) {
    %c0_i32 = arith.constant 0 : i32
    %c0_i32_0 = arith.constant 0 : i32
    %c0_i32_1 = arith.constant 0 : i32
    return %c0_i32, %c0_i32_0 : i32, i32
  }
  func.func @transform_11(%arg0: i32) -> (i32, i32) {
    %c0_i32 = arith.constant 0 : i32
    %c0_i32_0 = arith.constant 0 : i32
    %c0_i32_1 = arith.constant 0 : i32
    return %c0_i32, %c0_i32_0 : i32, i32
  }
  func.func @transform_12(%arg0: i32) -> (i32, i32) {
    %c0_i32 = arith.constant 0 : i32
    %c0_i32_0 = arith.constant 0 : i32
    %c0_i32_1 = arith.constant 0 : i32
    return %c0_i32, %c0_i32_0 : i32, i32
  }
  func.func @transform_13(%arg0: i32) -> (i32, i32) {
    %c0_i32 = arith.constant 0 : i32
    %c0_i32_0 = arith.constant 0 : i32
    return %arg0, %c0_i32 : i32, i32
  }
}

</mosaic_0001>

<sc_bundles>
// kernel: kernel.6.cloned.1.call-start
scs
__scs_entry_jumppad:
0x0: {  	(pc) =	sbr.rel $0x88, $3  }
0x1: {  	(tag) =	ssettag $0x0;
	lr =	simm.s32 $0x1  }
0x2: {  	[smem:$0x3F99] =	sst lr;
	_ =	strace $0xD0000000  }
0x3: {  	_ = 	snop  }
0x4: {  	_ = 	snop  }
0x5: {  	_ = 	snop  }
0x6: {  	_ = 	snop  }
0x7: {  	_ = 	snop  }
__scs_overlays_trampoline_lowered:
0x8: {  	[smem:$0x3FA8] =	sst s0  }
0x9: {  	[smem:$0x3FA9] =	sst s1  }
0xa: {  	[smem:$0x3FAA] =	sst s2  }
0xb: {  	[smem:$0x3FAB] =	sst s3  }
0xc: {  	[smem:$0x3FAC] =	sst s4  }
0xd: {  	[smem:$0x3FAD] =	sst s5  }
0xe: {  	[smem:$0x3FAE] =	sst s6  }
0xf: {  	[smem:$0x3FAF] =	sst s7  }
0x10: {  	[smem:$0x3FB0] =	sst s8  }
0x11: {  	[smem:$0x3FB1] =	sst s9;
	s0 =	simm.s32 @!p0 $0x0  }
0x12: {  	s1 =	sld [smem:$0x3F97];
	s0 =	simm.s32 @p0 $0x1  }
0x13: {  	[smem:$0x3FB2] =	sst s0;
	s0 =	simm.s32 @!p1 $0x0  }
0x14: {  	s2 =	sld [smem:$0x3F96];
	s0 =	simm.s32 @p1 $0x1  }
0x15: {  	[smem:$0x3FB3] =	sst s0;
	s0 =	simm.s32 @!p2 $0x0  }
0x16: {  	s3 =	sld [smem:$0x3FDB];
	s0 =	simm.s32 @p2 $0x1  }
0x17: {  	s4 =	simm.s32 $0x1BF5;
	[smem:$0x3FB5] =	sst s0  }
0x18: {  	s0 =	sld [smem:$0x3F98];
	_ =	swait.ge [sflag:s4], $0x0  }
0x19: {  	s7 =	sld [smem:$0x3F99]  }
0x1a: {  	s8 =	sadd.s32 $0xFFFFE003, lr  }
0x1b: {  	s9 =	sadd.s32 $0xFFFFFEF7, lr;
	s5 =	simm.s32 $0xFFFFFFFF;
	p2 =	slt.u32 s8, $0xFFFFF086  }
0x1c: {  	p1 =	slt.u32 s9, $0xF7A;
	s5 =	simm.s32 @!p2 $0x0  }
0x1d: {  	s5 =	simm.s32 @p1 $0x1;
	p0 =	seq.s32 s7, s2  }
0x1e: {  	s7 =	smul.u32 @!p0 $0xF7A, s2;
	p2 =	seq.s32 @!p0 s5, $0x0  }
0x1f: {  	s9 =	smul.u32 $0xF7A, s1;
	s8 =	simm.s32 @!p0 $0x1BF5;
	p2 =	por !p2, p0  }
0x20: {  	[sflag:s8] =	ssyncset.s32 @!p0 $0xFFFFF086;
	s6 =	sadd.s32 @!p0 s3, s7;
	s7 =	simm.s32 @!p0 $0x108  }
0x21: {  	s3 =	sadd.s32 s3, s9;
	s6 =	sadd.s32 @!p0 $0x88, s6;
	s7 =	simm.s32 @p2 $0x1082  }
0x22: {  	[simem:s7], [sflag:s8] =	dma.local @!p0 [hbm:s6], $0xF7A  }
0x23: {  	s9 =	sor.u32 $0xD0000000, s2;
	s6 =	simm.s32 $0x108;
	_ =	swait.ge @!p0 [sflag:s8], $0x0  }
0x24: {  	s3 =	sadd.s32 $0x88, s3;
	s6 =	simm.s32 @!p1 $0x1082;
	[sflag:s4] =	ssyncset.s32 $0xFFFFF086  }
0x25: {  	[simem:s6], [sflag:s4] =	dma.local [hbm:s3], $0xF7A  }
0x26: {  	[smem:$0x3F99] =	sst s1;
	(tag) =	ssettag s2;
	_ =	strace s9  }
0x27: {  	s1 =	sld [smem:$0x3FA9]  }
0x28: {  	s2 =	sld [smem:$0x3FAA]  }
0x29: {  	s4 =	sld [smem:$0x3FAC]  }
0x2a: {  	p0 =	seq.s32 s5, $0x0;
	s5 =	sld [smem:$0x3FAD]  }
0x2b: {  	s6 =	sld [smem:$0x3FAE]  }
0x2c: {  	s7 =	sld [smem:$0x3FAF]  }
0x2d: {  	s3 =	simm.s32 $0x108;
	s8 =	sld [smem:$0x3FB0]  }
0x2e: {  	s3 =	simm.s32 @!p0 $0x1082;
	s9 =	sld [smem:$0x3FB1]  }
0x2f: {  	lr =	sadd.s32 s0, s3;
	s0 =	sld [smem:$0x3FA8]  }
0x30: {  	s3 =	sld [smem:$0x3FAB]  }
0x31: {  	[smem:$0x3FB4] =	sst s10  }
0x32: {  	s10 =	sld [smem:$0x3FB2];
	_ =	sdelay $0x3  }
0x33: {  	p0 =	seq.s32 s10, $0x1;
	s10 =	sld [smem:$0x3FB4];
	_ =	sdelay $0x3  }
0x34: {  	[smem:$0x3FB4] =	sst s10  }
0x35: {  	s10 =	sld [smem:$0x3FB3];
	_ =	sdelay $0x3  }
0x36: {  	p1 =	seq.s32 s10, $0x1;
	s10 =	sld [smem:$0x3FB4];
	_ =	sdelay $0x3  }
0x37: {  	[smem:$0x3FB4] =	sst s10  }
0x38: {  	s10 =	sld [smem:$0x3FB5]  }
0x39: {  	_ = 	snop;
	(pc) =	sbr.ind lr, $3  }
0x3a: {  	_ = 	snop  }
0x3b: {  	_ = 	snop  }
0x3c: {  	p2 =	seq.s32 s10, $0x1;
	s10 =	sld [smem:$0x3FB4]  }
0x3d: {  	_ =	shalt  }
0x3e: {  	_ =	shalt  }
0x3f: {  	_ =	shalt  }
0x40: {  	_ =	shalt  }
0x41: {  	_ =	shalt  }
0x42: {  	_ =	shalt  }
0x43: {  	_ =	shalt  }
0x44: {  	_ =	shalt  }
0x45: {  	_ =	shalt  }
0x46: {  	_ =	shalt  }
0x47: {  	_ =	shalt  }
0x48: {  	_ =	shalt  }
0x49: {  	_ =	shalt  }
0x4a: {  	_ =	shalt  }
0x4b: {  	_ =	shalt  }
0x4c: {  	_ =	shalt  }
0x4d: {  	_ =	shalt  }
0x4e: {  	_ =	shalt  }
0x4f: {  	_ =	shalt  }
0x50: {  	_ =	shalt  }
0x51: {  	_ =	shalt  }
0x52: {  	_ =	shalt  }
0x53: {  	_ =	shalt  }
0x54: {  	_ =	shalt  }
0x55: {  	_ =	shalt  }
0x56: {  	_ =	shalt  }
0x57: {  	_ =	shalt  }
0x58: {  	_ =	shalt  }
0x59: {  	_ =	shalt  }
0x5a: {  	_ =	shalt  }
0x5b: {  	_ =	shalt  }
0x5c: {  	_ =	shalt  }
0x5d: {  	_ =	shalt  }
0x5e: {  	_ =	shalt  }
0x5f: {  	_ =	shalt  }
0x60: {  	_ =	shalt  }
0x61: {  	_ =	shalt  }
0x62: {  	_ =	shalt  }
0x63: {  	_ =	shalt  }
0x64: {  	_ =	shalt  }
0x65: {  	_ =	shalt  }
0x66: {  	_ =	shalt  }
0x67: {  	_ =	shalt  }
0x68: {  	_ =	shalt  }
0x69: {  	_ =	shalt  }
0x6a: {  	_ =	shalt  }
0x6b: {  	_ =	shalt  }
0x6c: {  	_ =	shalt  }
0x6d: {  	_ =	shalt  }
0x6e: {  	_ =	shalt  }
0x6f: {  	_ =	shalt  }
0x70: {  	_ =	shalt  }
0x71: {  	_ =	shalt  }
0x72: {  	_ =	shalt  }
0x73: {  	_ =	shalt  }
0x74: {  	_ =	shalt  }
0x75: {  	_ =	shalt  }
0x76: {  	_ =	shalt  }
0x77: {  	_ =	shalt  }
0x78: {  	_ =	shalt  }
0x79: {  	_ =	shalt  }
0x7a: {  	_ =	shalt  }
0x7b: {  	_ =	shalt  }
0x7c: {  	_ =	shalt  }
0x7d: {  	_ =	shalt  }
0x7e: {  	_ =	shalt  }
0x7f: {  	_ =	shalt  }
0x80: {  	_ =	shalt  }
0x81: {  	_ =	shalt  }
0x82: {  	_ =	shalt  }
0x83: {  	_ =	shalt  }
0x84: {  	_ =	shalt  }
0x85: {  	_ =	shalt  }
0x86: {  	_ =	shalt  }
0x87: {  	_ =	shalt  }
.Lfunc_end0:
.L_simem_size_0:
called_computation_lowered:
.L_overlay_start_0:
0x88: {  	s2 =	sld [smem:$0x3FD9]  }
0x89: {  	s3 =	sld [smem:$0x3FFE];
	_ =	sdelay $0x1  }
0x8a: {  	s1 =	srdreg.scid  }
0x8b: {  	s0 =	sand.u32 $0x1, s1  }
0x8c: {  	s17 =	sshll.u32 s0, $0xA;
	s2 =	sadd.s32 s3, s2  }
0x8d: {  	s2 =	sadd.s32 s2, s17  }
0x8e: {  	[smem:$0x3FC0] =	sst s2  }
0x8f: {  	_ = 	snop  }
0x90: {  	s2 =	sld [smem:$0x3FC9]  }
0x91: {  	s18 =	sld [smem:$0x3FD0];
	(tm) =	ssettm $0x1  }
0x92: {  	s4 =	sld [smem:$0x3FFB];
	_ =	sdelay $0x3  }
0x93: {  	_ =	strace s4  }
0x94: {  	s4 =	sld [smem:$0x3FFC];
	_ =	sdelay $0x3  }
0x95: {  	_ =	strace s4  }
0x96: {  	s4 =	sld [smem:$0x3FFD];
	_ =	sdelay $0x3  }
0x97: {  	_ =	strace s4  }
0x98: {  	_ =	strace $0x8FFFFFFF  }
0x99: {  	s19 =	sld [smem:$0x3FDB];
	_ =	sdelay $0x1  }
0x9a: {  	s5 =	simm.s32 $_scs_section_size  }
0x9b: {  	s6 =	simm.s32 $_size__tile_overlayer_lowered;
	s7 =	simm.s32 $_tile_overlayer_lowered  }
0x9c: {  	s22 =	simm.s32 $0x1BFF;
	s21 =	sshll.u32 s7, $0x1;
	s4 =	sadd.s32 s5, s19  }
0x9d: {  	s8 =	simm.s32 $0x0;
	s20 =	sshll.u32 s6, $0x1;
	s6 =	sadd.s32 s21, s4  }
0x9e: {  	[timem:s8], [sflag:s22] =	dma.local [hbm:s6], s20  }
0x9f: {  	_ =	swait.ge [sflag:s22], s20  }
0xa0: {  	s5 =	ssub.s32 $0x0, s20;
	[sflag:s22] =	ssyncset.done $0x0  }
0xa1: {  	[sflag:s22] =	ssyncadd.s32 s5;
	_ =	sdelay $0x1  }
0xa2: {  	s23 =	simm.s32 $0x1B8B  }
0xa3: {  	_ =	swait.ge [sflag:s23], $0x1  }
0xa4: {  	[sflag:s23] =	ssyncset.done $0x0  }
0xa5: {  	s25 =	simm.s32 $0x1B8E;
	s24 =	sld [smem:$0x3FFE];
	[sflag:s23] =	ssyncadd.s32 $0xFFFFFFFF  }
0xa6: {  	s26 =	simm.s32 $execute0_lowered;
	[smem:$0x3FD2] =	sst s25  }
0xa7: {  	s6 =	sshll.u32 s26, $0x1;
	_ =	strace $0x80000046;
	[dreg:$0x1] =	wrdreg $0xFFFFFFFF  }
0xa8: {  	s28 =	simm.s32 $_size_execute0_lowered;
	s4 =	sadd.s32 s4, s6;
	[dreg:$0x0] =	wrdreg $0x0  }
0xa9: {  	s6 =	sshll.u32 s28, $0x1;
	[dreg:$0x2] =	wrdreg s4  }
0xaa: {  	[dreg:$0x3] =	wrdreg s6  }
0xab: {  	[dreg:$0x4] =	wrdreg $0xC0  }
0xac: {  	_ =	task [dreg:s8], $0x5FFFF  }
0xad: {  	[dreg:$0x1] =	wrdreg $0xFFFFFFFF  }
0xae: {  	[dreg:$0x0] =	wrdreg $0x60  }
0xaf: {  	[dreg:$0x2] =	wrdreg s2  }
0xb0: {  	[dreg:$0x3] =	wrdreg s24  }
0xb1: {  	[dreg:$0x4] =	wrdreg s18  }
0xb2: {  	[dreg:$0x5] =	wrdreg $0x0  }
0xb3: {  	[dreg:$0x6] =	wrdreg $0x140000  }
0xb4: {  	[dreg:$0x7] =	wrdreg $0x9  }
0xb5: {  	_ =	task.clear_ibuf [dreg:s8], $0x8FFFF;
	_ =	strace $0x90000046  }
0xb6: {  	s29 =	simm.s32 $0x9;
	_ =	strace $0x80000048  }
0xb7: {  	_ =	swait.ge [sflag:s29], $0x1  }
0xb8: {  	[sflag:s29] =	ssyncadd.s32 $0xFFFFFFFF  }
0xb9: {  	_ =	strace $0x90000048  }
0xba: {  	_ =	sfence  }
0xbb: {  	s30 =	sld [smem:$0x0];
	_ =	sdelay $0x2  }
0xbc: {  	s31 =	sshll.u32 s1, $0xD;
	s1 =	sshrl.u32 s1, $0x2  }
0xbd: {  	s3 =	sand.u32 $0x4000, s31;
	s1 =	sadd.s32 s1, s30  }
0xbe: {  	s0 =	sor.u32 s3, s0;
	s1 =	sshll.u32 s1, $0x11  }
0xbf: {  	s0 =	sor.u32 s1, s0  }
0xc0: {  	s0 =	sadd.s32 $0x8F2B, s0  }
0xc1: {  	[sflag:s0] =	ssyncadd.remote.s32 $0x1  }
0xc2: {  	_ =	sfence.sel $0xFFFF  }
0xc3: {  	[dreg:$0x0] =	wrdreg $0xFFFFFFFF;
	(pc) =	sbr.abs _section_cstart, $3  }
0xc4: {  	[dreg:$0x1] =	wrdreg $0xFFFFFFFF  }
0xc5: {  	_ =	task.clear_ibuf [dreg:s8], $0x2FFFF;
	_ =	strace $0x9FFFFFFF  }
0xc6: {  	(tm) =	ssettm $0x7FFFFFFF  }
0xc7: {  	_ =	shalt  }
tec
execute0_lowered:
.L_overlay_start_1:
0x0: {  	(tag) =	ssettag $0x1  }
0x1: {  	s12 =	rddreg [dreg:$0x0]  }
0x2: {  	s5 =	rddreg [dreg:$0x1]  }
0x3: {  	s8 =	rddreg [dreg:$0x2]  }
0x4: {  	s1 =	rddreg [dreg:$0x3]  }
0x5: {  	s2 =	rddreg [dreg:$0x4];
	s17 =	stileid.u32  }
0x6: {  	s0 =	rddreg [dreg:$0x5];
	s19 =	smul.u32 $0x2800, s17  }
0x7: {  	s4 =	srdreg.scid;
	s3 =	simm.s32 $0x0;
	s7 =	smul.u32 $0x280, s17  }
0x8: {  	s11 =	sand.u32 $0x1, s4;
	[smem:$0x7FF] =	sst s3;
	s10 =	smul.u32 $0x50000, s17  }
0x9: {  	s4 =	sadd.s32 $0xC200, s5;
	s26 =	sshll.u32 s17, $0x6;
	s29 =	sshll.u32 s17, $0x4  }
0xa: {  	s31 =	sshll.u32 s17, $0xB;
	p0 =	sne.s32 s17, $0x0;
	s6 =	sshll.u32 s11, $0x8  }
0xb: {  	_ =	strace $0x80000047;
	s20 =	smul.u32 $0x500, s11;
	s15 =	ssub.s32 $0x2, s11  }
0xc: {  	s25 =	sshll.u32 s11, $0x4;
	s28 =	smul.u32 $0x28000, s11;
	s30 =	sshll.u32 s11, $0xF  }
0xd: {  	s13 =	sadd.s32 s6, s5;
	s9 =	sadd.s32 s19, s5;
	s21 =	sshrl.u32 s7, $0x3  }
0xe: {  	s22 =	sshrl.u32 s15, $0x1;
	s23 =	sshrl.u32 s10, $0x2;
	s6 =	sor.u32 $0x1C01, s26  }
0xf: {  	s19 =	sadd.s32 s7, s2;
	s12 =	sadd.s32 s30, s12;
	s14 =	sadd.s32 s21, s5  }
0x10: {  	s16 =	sadd.s32 s20, s5;
	s24 =	ssub.s32 s15, s22;
	s18 =	sadd.s32 s23, s1  }
0x11: {  	s5 =	sadd.s32 $0xCA00, s9;
	s8 =	sadd.s32 s8, s28;
	s13 =	sadd.s32 s29, s13  }
0x12: {  	s12 =	sadd.s32 s31, s12;
	s15 =	simm.s32 $0x1;
	s7 =	sadd.s32 $0xC400, s14  }
0x13: {  	s9 =	sadd.s32 $0x34A00, s16;
	s10 =	smax.u32 s24, $0x1;
	s11 =	sadd.s32 $0x2400, s13  }
0x14: {  	s13 =	sor.u32 s25, s17;
	s14 =	sshrl.u32 s18, $0x3;
	s16 =	sshrl.u32 s19, $0x3  }
0x15: {  	s17 =	simm.s32 $0x18300;
	s18 =	sshrl.u32 @!p0 s1, $0x3;
	s19 =	simm.s32 $0x0  }
.LBB2_1:
0x16: {  	[spmem:s14], [sflag:s6] =	dma.local [hbm:s5], $0x2800  }
0x17: {  	_ =	swait.ge [sflag:s15], $0x2800  }
0x18: {  	[sflag:s15] =	ssyncset.done $0x0  }
0x19: {  	[sflag:s15] =	ssyncadd.s32 $0xFFFFD800  }
0x1a: {  	[spmem:s16], [sflag:s6] =	dma.local [hbm:s7], $0x50  }
0x1b: {  	_ =	swait.ge [sflag:s15], $0x50  }
0x1c: {  	[sflag:s15] =	ssyncset.done $0x0  }
0x1d: {  	[sflag:s15] =	ssyncadd.s32 $0xFFFFFFB0  }
0x1e: {  	[tilespmem:s17], [sflag:$0x1] =	stream.linear.gather [hbm4b:s4+s3], $0x80, $0x38;
	[tilespmem:$0x18380] =	vst v63  }
0x1f: {  	s20 =	sadd.s32 $0x0, s13;
	_ =	swait.ge [sflag:s15], $0x80  }
0x20: {  	p1 =	sgt.u32 s20, $0x9C3;
	[sflag:s15] =	ssyncset.done $0x0  }
0x21: {  	s20 =	simm.s32 @!p1 $0x0;
	[sflag:s15] =	ssyncadd.s32 $0xFFFFFF80  }
0x22: {  	s22 =	simm.s32 @!p1 $0x14280;
	s23 =	simm.s32 @!p1 $0x2;
	[bflag:$0x0] =	sbarrier.arrive $0xFFFF  }
0x23: {  	[tilespmem:s22], [sflag:$0x2] =	stream.linear.gather @!p1 [hbm4b:s11+s20], $0x80, $0x38;
	[tilespmem:$0x18380] =	vst v63  }
0x24: {  	_ =	swait.ge @!p1 [sflag:s23], $0x80;
	p1 =	por p1, p1  }
0x25: {  	[sflag:s23] =	ssyncset.done @!p1 $0x0  }
0x26: {  	s21 =	simm.s32 @!p1 $0x14300;
	[sflag:s23] =	ssyncadd.s32 @!p1 $0xFFFFFF80  }
0x27: {  	[tilespmem:s21], [sflag:$0x2] =	stream.linear.gather @!p1 [hbm4b:s12+s20], $0x4000, $0x38;
	[tilespmem:$0x18380] =	vst v63  }
0x28: {  	_ =	swait.ge @!p1 [sflag:s23], $0x4000  }
0x29: {  	[sflag:s23] =	ssyncset.done @!p1 $0x0  }
0x2a: {  	s20 =	simm.s32 @!p1 $0x80;
	[sflag:s23] =	ssyncadd.s32 @!p1 $0xFFFFC000  }
0x2b: {  	[spmem:s1] =	stream.indirect.scatter.add.f32 @!p1 [tilespmem:s21], [sflag:$0x2], $0x80, s22, s20, $0xb8;
	[tilespmem:$0x18380] =	vst v63  }
0x2c: {  	_ =	swait.ge @!p1 [sflag:s23], $0x4000  }
0x2d: {  	[sflag:s23] =	ssyncset.done @!p1 $0x0  }
0x2e: {  	s31 =	sadd.s32 $0x20, s13;
	[sflag:s23] =	ssyncadd.s32 @!p1 $0xFFFFC000;
	s23 =	simm.s32 @!p1 $0x18300  }
0x2f: {  	[spmem:s2] =	stream.indirect.scatter.add.f32 @!p1 [tilespmem:s23], [sflag:$0x1], $0x1, s22, s20, $0xb8;
	[tilespmem:$0x18380] =	vst v63  }
0x30: {  	p3 =	sgt.u32 s31, $0x9C3;
	s21 =	simm.s32 $0x40;
	s23 =	simm.s32 @!p1 $0x1  }
0x31: {  	s20 =	sadd.s32 $0x10000, s12;
	s22 =	sadd.s32 $0x200, s11;
	_ =	swait.ge @!p1 [sflag:s23], $0x80  }
.LBB2_2:
0x32: {  	s24 =	simm.s32 @!p3 $0x0  }
0x33: {  	s25 =	simm.s32 @!p3 $0x14280;
	[sflag:s23] =	ssyncset.done @!p1 $0x0;
	s26 =	smov.u32 s21  }
0x34: {  	s21 =	sadd.s32 $0x20, s21;
	s28 =	simm.s32 @!p3 $0x2;
	[sflag:s23] =	ssyncadd.s32 @!p1 $0xFFFFFF80  }
0x35: {  	[tilespmem:s25], [sflag:$0x2] =	stream.linear.gather @!p3 [hbm4b:s22+s24], $0x80, $0x38;
	[tilespmem:$0x18380] =	vst v63  }
0x36: {  	p2 =	sne.s32 s21, $0x9E0;
	p1 =	por p3, p3;
	_ =	swait.ge @!p3 [sflag:s28], $0x80  }
0x37: {  	[sflag:s28] =	ssyncset.done @!p1 $0x0  }
0x38: {  	s23 =	simm.s32 @!p1 $0x14300;
	[sflag:s28] =	ssyncadd.s32 @!p1 $0xFFFFFF80  }
0x39: {  	[tilespmem:s23], [sflag:$0x2] =	stream.linear.gather @!p1 [hbm4b:s20+s24], $0x4000, $0x38;
	[tilespmem:$0x18380] =	vst v63  }
0x3a: {  	_ =	swait.ge @!p1 [sflag:s28], $0x4000  }
0x3b: {  	[sflag:s28] =	ssyncset.done @!p1 $0x0  }
0x3c: {  	s24 =	simm.s32 @!p1 $0x80;
	[sflag:s28] =	ssyncadd.s32 @!p1 $0xFFFFC000  }
0x3d: {  	[spmem:s1] =	stream.indirect.scatter.add.f32 @!p1 [tilespmem:s23], [sflag:$0x2], $0x80, s25, s24, $0xb8;
	[tilespmem:$0x18380] =	vst v63  }
.Ltmp0:
0x3e: {  	_ =	swait.ge @!p1 [sflag:s28], $0x4000;
	(pc) =	sbr.rel @p2 .LBB2_2-.Ltmp0, $4  }
0x3f: {  	s20 =	sadd.s32 $0x10000, s20;
	s23 =	simm.s32 @!p1 $0x1;
	[sflag:s28] =	ssyncset.done @!p1 $0x0  }
0x40: {  	s26 =	sadd.s32 s26, s13;
	[sflag:s28] =	ssyncadd.s32 @!p1 $0xFFFFC000;
	s28 =	simm.s32 @!p1 $0x18300  }
0x41: {  	[spmem:s2] =	stream.indirect.scatter.add.f32 @!p1 [tilespmem:s28], [sflag:$0x1], $0x1, s25, s24, $0xb8;
	[tilespmem:$0x18380] =	vst v63  }
0x42: {  	s22 =	sadd.s32 $0x200, s22;
	p3 =	sgt.u32 s26, $0x9C3;
	_ =	swait.ge @!p1 [sflag:s23], $0x80  }
0x43: {  	s21 =	simm.s32 @!p3 $0x0;
	[sflag:s23] =	ssyncset.done @!p1 $0x0  }
0x44: {  	s24 =	simm.s32 @!p3 $0x14280;
	s25 =	simm.s32 @!p3 $0x2;
	[sflag:s23] =	ssyncadd.s32 @!p1 $0xFFFFFF80  }
0x45: {  	[tilespmem:s24], [sflag:$0x2] =	stream.linear.gather @!p3 [hbm4b:s22+s21], $0x80, $0x38;
	[tilespmem:$0x18380] =	vst v63  }
0x46: {  	p1 =	por p3, p3;
	_ =	swait.ge @!p3 [sflag:s25], $0x80  }
0x47: {  	[sflag:s25] =	ssyncset.done @!p1 $0x0  }
0x48: {  	s22 =	simm.s32 @!p1 $0x14300;
	[sflag:s25] =	ssyncadd.s32 @!p1 $0xFFFFFF80  }
0x49: {  	[tilespmem:s22], [sflag:$0x2] =	stream.linear.gather @!p1 [hbm4b:s20+s21], $0x4000, $0x38;
	[tilespmem:$0x18380] =	vst v63  }
0x4a: {  	_ =	swait.ge @!p1 [sflag:s25], $0x4000  }
0x4b: {  	[sflag:s25] =	ssyncset.done @!p1 $0x0  }
0x4c: {  	s20 =	simm.s32 @!p1 $0x80;
	[sflag:s25] =	ssyncadd.s32 @!p1 $0xFFFFC000  }
0x4d: {  	[spmem:s1] =	stream.indirect.scatter.add.f32 @!p1 [tilespmem:s22], [sflag:$0x2], $0x80, s24, s20, $0xb8;
	[tilespmem:$0x18380] =	vst v63  }
0x4e: {  	_ =	swait.ge @!p1 [sflag:s25], $0x4000  }
0x4f: {  	[sflag:s25] =	ssyncset.done @!p1 $0x0  }
0x50: {  	s21 =	simm.s32 @!p1 $0x1;
	s22 =	simm.s32 @!p1 $0x18300;
	[sflag:s25] =	ssyncadd.s32 @!p1 $0xFFFFC000  }
0x51: {  	[spmem:s2] =	stream.indirect.scatter.add.f32 @!p1 [tilespmem:s22], [sflag:$0x1], $0x1, s24, s20, $0xb8;
	[tilespmem:$0x18380] =	vst v63  }
0x52: {  	_ =	swait.ge @!p1 [sflag:s21], $0x80  }
0x53: {  	[sflag:s21] =	ssyncset.done @!p1 $0x0  }
0x54: {  	[sflag:s21] =	ssyncadd.s32 @!p1 $0xFFFFFF80  }
0x55: {  	s20 =	simm.s32 @!p0 $0x1;
	[bflag:$0x0] =	sbarrier.arrive $0xFFFF  }
0x56: {  	[hbm:s8], [sflag:s6] =	dma.local @!p0 [spmem:s18], $0x28000  }
0x57: {  	s19 =	sadd.s32 $0x1, s19;
	_ =	swait.ge @!p0 [sflag:s20], $0x28000  }
0x58: {  	p1 =	sne.s32 s19, s10;
	[sflag:s20] =	ssyncset.done @!p0 $0x0  }
.Ltmp1:
0x59: {  	s21 =	sshrl.u32 @!p0 s2, $0x3;
	[sflag:s20] =	ssyncadd.s32 @!p0 $0xFFFD8000;
	(pc) =	sbr.rel @p1 .LBB2_1-.Ltmp1, $4  }
0x5a: {  	[hbm:s9], [sflag:s6] =	dma.local @!p0 [spmem:s21], $0x500  }
0x5b: {  	_ =	swait.ge @!p0 [sflag:s20], $0x500  }
0x5c: {  	[sflag:s20] =	ssyncset.done @!p0 $0x0  }
0x5d: {  	[sflag:s20] =	ssyncadd.s32 @!p0 $0xFFFFFB00  }
0x5e: {  	_ =	sfence.sel $0x180000  }
0x5f: {  	[bflag:$0x0] =	sbarrier.arrive $0xFFFF  }
0x60: {  	_ =	strace $0x90000047  }
0x61: {  	s0 =	sadd.s32 @!p0 $0x100000, s0;
	[bflag:$0x2] =	sbarrier.arrive $0xFFFF  }
0x62: {  	[sflag:s0] =	ssyncadd.tile.s32 @!p0 $0x1;
	_ =	shalt  }
.Lfunc_end2:
_tile_overlayer_lowered:
.L_overlay_start_2:
0x63: {  	(tag) =	ssettag $0x2  }
0x64: {  	s0 =	rddreg [dreg:$0x0];
	s2 =	stileid.u32  }
0x65: {  	s1 =	rddreg [dreg:$0x1];
	p0 =	sne.s32 s2, $0x0  }
0x66: {  	s3 =	rddreg [dreg:$0x2];
	[bflag:$0x3] =	sbarrier.arrive $0xFFFF;
	s2 =	simm.s32 @!p0 $0x1C01  }
0x67: {  	[timem:s3], [sflag:s2] =	dma.local @!p0 [hbm:s0], s1  }
0x68: {  	s0 =	simm.s32 @!p0 $0x1  }
0x69: {  	_ =	swait.ge @!p0 [sflag:s0], s1  }
0x6a: {  	s1 =	ssub.s32 @!p0 $0x0, s1;
	[sflag:s0] =	ssyncset.done @!p0 $0x0  }
0x6b: {  	[sflag:s0] =	ssyncadd.s32 @!p0 s1  }
0x6c: {  	[bflag:$0x3] =	sbarrier.arrive $0xFFFF  }
0x6d: {  	_ =	shalt  }

// kernel: kernel.9.cloned.1.call-start
scs
__scs_entry_jumppad:
0x0: {  	(pc) =	sbr.rel $0x88, $3  }
0x1: {  	(tag) =	ssettag $0x0;
	lr =	simm.s32 $0x1  }
0x2: {  	[smem:$0x3F99] =	sst lr;
	_ =	strace $0xD0000000  }
0x3: {  	_ = 	snop  }
0x4: {  	_ = 	snop  }
0x5: {  	_ = 	snop  }
0x6: {  	_ = 	snop  }
0x7: {  	_ = 	snop  }
__scs_overlays_trampoline_lowered:
0x8: {  	[smem:$0x3FA8] =	sst s0  }
0x9: {  	[smem:$0x3FA9] =	sst s1  }
0xa: {  	[smem:$0x3FAA] =	sst s2  }
0xb: {  	[smem:$0x3FAB] =	sst s3  }
0xc: {  	[smem:$0x3FAC] =	sst s4  }
0xd: {  	[smem:$0x3FAD] =	sst s5  }
0xe: {  	[smem:$0x3FAE] =	sst s6  }
0xf: {  	[smem:$0x3FAF] =	sst s7  }
0x10: {  	[smem:$0x3FB0] =	sst s8  }
0x11: {  	[smem:$0x3FB1] =	sst s9;
	s0 =	simm.s32 @!p0 $0x0  }
0x12: {  	s1 =	sld [smem:$0x3F97];
	s0 =	simm.s32 @p0 $0x1  }
0x13: {  	[smem:$0x3FB2] =	sst s0;
	s0 =	simm.s32 @!p1 $0x0  }
0x14: {  	s2 =	sld [smem:$0x3F96];
	s0 =	simm.s32 @p1 $0x1  }
0x15: {  	[smem:$0x3FB3] =	sst s0;
	s0 =	simm.s32 @!p2 $0x0  }
0x16: {  	s3 =	sld [smem:$0x3FDB];
	s0 =	simm.s32 @p2 $0x1  }
0x17: {  	s4 =	simm.s32 $0x1BF5;
	[smem:$0x3FB5] =	sst s0  }
0x18: {  	s0 =	sld [smem:$0x3F98];
	_ =	swait.ge [sflag:s4], $0x0  }
0x19: {  	s7 =	sld [smem:$0x3F99]  }
0x1a: {  	s8 =	sadd.s32 $0xFFFFE003, lr  }
0x1b: {  	s9 =	sadd.s32 $0xFFFFFEF7, lr;
	s5 =	simm.s32 $0xFFFFFFFF;
	p2 =	slt.u32 s8, $0xFFFFF086  }
0x1c: {  	p1 =	slt.u32 s9, $0xF7A;
	s5 =	simm.s32 @!p2 $0x0  }
0x1d: {  	s5 =	simm.s32 @p1 $0x1;
	p0 =	seq.s32 s7, s2  }
0x1e: {  	s7 =	smul.u32 @!p0 $0xF7A, s2;
	p2 =	seq.s32 @!p0 s5, $0x0  }
0x1f: {  	s9 =	smul.u32 $0xF7A, s1;
	s8 =	simm.s32 @!p0 $0x1BF5;
	p2 =	por !p2, p0  }
0x20: {  	[sflag:s8] =	ssyncset.s32 @!p0 $0xFFFFF086;
	s6 =	sadd.s32 @!p0 s3, s7;
	s7 =	simm.s32 @!p0 $0x108  }
0x21: {  	s3 =	sadd.s32 s3, s9;
	s6 =	sadd.s32 @!p0 $0x88, s6;
	s7 =	simm.s32 @p2 $0x1082  }
0x22: {  	[simem:s7], [sflag:s8] =	dma.local @!p0 [hbm:s6], $0xF7A  }
0x23: {  	s9 =	sor.u32 $0xD0000000, s2;
	s6 =	simm.s32 $0x108;
	_ =	swait.ge @!p0 [sflag:s8], $0x0  }
0x24: {  	s3 =	sadd.s32 $0x88, s3;
	s6 =	simm.s32 @!p1 $0x1082;
	[sflag:s4] =	ssyncset.s32 $0xFFFFF086  }
0x25: {  	[simem:s6], [sflag:s4] =	dma.local [hbm:s3], $0xF7A  }
0x26: {  	[smem:$0x3F99] =	sst s1;
	(tag) =	ssettag s2;
	_ =	strace s9  }
0x27: {  	s1 =	sld [smem:$0x3FA9]  }
0x28: {  	s2 =	sld [smem:$0x3FAA]  }
0x29: {  	s4 =	sld [smem:$0x3FAC]  }
0x2a: {  	p0 =	seq.s32 s5, $0x0;
	s5 =	sld [smem:$0x3FAD]  }
0x2b: {  	s6 =	sld [smem:$0x3FAE]  }
0x2c: {  	s7 =	sld [smem:$0x3FAF]  }
0x2d: {  	s3 =	simm.s32 $0x108;
	s8 =	sld [smem:$0x3FB0]  }
0x2e: {  	s3 =	simm.s32 @!p0 $0x1082;
	s9 =	sld [smem:$0x3FB1]  }
0x2f: {  	lr =	sadd.s32 s0, s3;
	s0 =	sld [smem:$0x3FA8]  }
0x30: {  	s3 =	sld [smem:$0x3FAB]  }
0x31: {  	[smem:$0x3FB4] =	sst s10  }
0x32: {  	s10 =	sld [smem:$0x3FB2];
	_ =	sdelay $0x3  }
0x33: {  	p0 =	seq.s32 s10, $0x1;
	s10 =	sld [smem:$0x3FB4];
	_ =	sdelay $0x3  }
0x34: {  	[smem:$0x3FB4] =	sst s10  }
0x35: {  	s10 =	sld [smem:$0x3FB3];
	_ =	sdelay $0x3  }
0x36: {  	p1 =	seq.s32 s10, $0x1;
	s10 =	sld [smem:$0x3FB4];
	_ =	sdelay $0x3  }
0x37: {  	[smem:$0x3FB4] =	sst s10  }
0x38: {  	s10 =	sld [smem:$0x3FB5]  }
0x39: {  	_ = 	snop;
	(pc) =	sbr.ind lr, $3  }
0x3a: {  	_ = 	snop  }
0x3b: {  	_ = 	snop  }
0x3c: {  	p2 =	seq.s32 s10, $0x1;
	s10 =	sld [smem:$0x3FB4]  }
0x3d: {  	_ =	shalt  }
0x3e: {  	_ =	shalt  }
0x3f: {  	_ =	shalt  }
0x40: {  	_ =	shalt  }
0x41: {  	_ =	shalt  }
0x42: {  	_ =	shalt  }
0x43: {  	_ =	shalt  }
0x44: {  	_ =	shalt  }
0x45: {  	_ =	shalt  }
0x46: {  	_ =	shalt  }
0x47: {  	_ =	shalt  }
0x48: {  	_ =	shalt  }
0x49: {  	_ =	shalt  }
0x4a: {  	_ =	shalt  }
0x4b: {  	_ =	shalt  }
0x4c: {  	_ =	shalt  }
0x4d: {  	_ =	shalt  }
0x4e: {  	_ =	shalt  }
0x4f: {  	_ =	shalt  }
0x50: {  	_ =	shalt  }
0x51: {  	_ =	shalt  }
0x52: {  	_ =	shalt  }
0x53: {  	_ =	shalt  }
0x54: {  	_ =	shalt  }
0x55: {  	_ =	shalt  }
0x56: {  	_ =	shalt  }
0x57: {  	_ =	shalt  }
0x58: {  	_ =	shalt  }
0x59: {  	_ =	shalt  }
0x5a: {  	_ =	shalt  }
0x5b: {  	_ =	shalt  }
0x5c: {  	_ =	shalt  }
0x5d: {  	_ =	shalt  }
0x5e: {  	_ =	shalt  }
0x5f: {  	_ =	shalt  }
0x60: {  	_ =	shalt  }
0x61: {  	_ =	shalt  }
0x62: {  	_ =	shalt  }
0x63: {  	_ =	shalt  }
0x64: {  	_ =	shalt  }
0x65: {  	_ =	shalt  }
0x66: {  	_ =	shalt  }
0x67: {  	_ =	shalt  }
0x68: {  	_ =	shalt  }
0x69: {  	_ =	shalt  }
0x6a: {  	_ =	shalt  }
0x6b: {  	_ =	shalt  }
0x6c: {  	_ =	shalt  }
0x6d: {  	_ =	shalt  }
0x6e: {  	_ =	shalt  }
0x6f: {  	_ =	shalt  }
0x70: {  	_ =	shalt  }
0x71: {  	_ =	shalt  }
0x72: {  	_ =	shalt  }
0x73: {  	_ =	shalt  }
0x74: {  	_ =	shalt  }
0x75: {  	_ =	shalt  }
0x76: {  	_ =	shalt  }
0x77: {  	_ =	shalt  }
0x78: {  	_ =	shalt  }
0x79: {  	_ =	shalt  }
0x7a: {  	_ =	shalt  }
0x7b: {  	_ =	shalt  }
0x7c: {  	_ =	shalt  }
0x7d: {  	_ =	shalt  }
0x7e: {  	_ =	shalt  }
0x7f: {  	_ =	shalt  }
0x80: {  	_ =	shalt  }
0x81: {  	_ =	shalt  }
0x82: {  	_ =	shalt  }
0x83: {  	_ =	shalt  }
0x84: {  	_ =	shalt  }
0x85: {  	_ =	shalt  }
0x86: {  	_ =	shalt  }
0x87: {  	_ =	shalt  }
.Lfunc_end0:
.L_simem_size_0:
called_computation.1_lowered:
.L_overlay_start_0:
0x88: {  	s2 =	sld [smem:$0x3FD9]  }
0x89: {  	s3 =	sld [smem:$0x3FFE];
	_ =	sdelay $0x1  }
0x8a: {  	s1 =	srdreg.scid  }
0x8b: {  	s0 =	sand.u32 $0x1, s1  }
0x8c: {  	s17 =	sshll.u32 s0, $0xA;
	s2 =	sadd.s32 s3, s2  }
0x8d: {  	s2 =	sadd.s32 s2, s17  }
0x8e: {  	[smem:$0x3FC0] =	sst s2  }
0x8f: {  	_ = 	snop  }
0x90: {  	s2 =	sld [smem:$0x3FD0];
	(tm) =	ssettm $0x1  }
0x91: {  	s18 =	sld [smem:$0x3FFB];
	_ =	sdelay $0x3  }
0x92: {  	_ =	strace s18  }
0x93: {  	s3 =	sld [smem:$0x3FFC];
	_ =	sdelay $0x3  }
0x94: {  	_ =	strace s3  }
0x95: {  	s3 =	sld [smem:$0x3FFD];
	_ =	sdelay $0x3  }
0x96: {  	_ =	strace s3  }
0x97: {  	_ =	strace $0x8FFFFFFF  }
0x98: {  	s19 =	sld [smem:$0x3FDB];
	_ =	sdelay $0x1  }
0x99: {  	s4 =	simm.s32 $_scs_section_size  }
0x9a: {  	s5 =	simm.s32 $_size__tile_overlayer_lowered;
	s6 =	simm.s32 $_tile_overlayer_lowered  }
0x9b: {  	s22 =	simm.s32 $0x1BFF;
	s21 =	sshll.u32 s6, $0x1;
	s3 =	sadd.s32 s4, s19  }
0x9c: {  	s7 =	simm.s32 $0x0;
	s20 =	sshll.u32 s5, $0x1;
	s5 =	sadd.s32 s21, s3  }
0x9d: {  	[timem:s7], [sflag:s22] =	dma.local [hbm:s5], s20  }
0x9e: {  	_ =	swait.ge [sflag:s22], s20  }
0x9f: {  	s4 =	ssub.s32 $0x0, s20;
	[sflag:s22] =	ssyncset.done $0x0  }
0xa0: {  	[sflag:s22] =	ssyncadd.s32 s4;
	_ =	sdelay $0x1  }
0xa1: {  	s23 =	simm.s32 $0x1B8B  }
0xa2: {  	_ =	swait.ge [sflag:s23], $0x1  }
0xa3: {  	[sflag:s23] =	ssyncset.done $0x0  }
0xa4: {  	s25 =	simm.s32 $0x1B8E;
	s24 =	sld [smem:$0x3FFE];
	[sflag:s23] =	ssyncadd.s32 $0xFFFFFFFF  }
0xa5: {  	s26 =	simm.s32 $execute0_lowered;
	[smem:$0x3FD2] =	sst s25  }
0xa6: {  	s5 =	sshll.u32 s26, $0x1;
	_ =	strace $0x80000049;
	[dreg:$0x1] =	wrdreg $0xFFFFFFFF  }
0xa7: {  	s28 =	simm.s32 $_size_execute0_lowered;
	s3 =	sadd.s32 s3, s5;
	[dreg:$0x0] =	wrdreg $0x0  }
0xa8: {  	s5 =	sshll.u32 s28, $0x1;
	[dreg:$0x2] =	wrdreg s3  }
0xa9: {  	[dreg:$0x3] =	wrdreg s5  }
0xaa: {  	[dreg:$0x4] =	wrdreg $0xC0  }
0xab: {  	_ =	task [dreg:s7], $0x5FFFF  }
0xac: {  	[dreg:$0x1] =	wrdreg $0xFFFFFFFF  }
0xad: {  	[dreg:$0x0] =	wrdreg $0x60  }
0xae: {  	[dreg:$0x2] =	wrdreg s2  }
0xaf: {  	[dreg:$0x3] =	wrdreg s24  }
0xb0: {  	[dreg:$0x4] =	wrdreg $0x9  }
0xb1: {  	_ =	task.clear_ibuf [dreg:s7], $0x5FFFF;
	_ =	strace $0x90000049  }
0xb2: {  	s29 =	simm.s32 $0x9;
	_ =	strace $0x8000004B  }
0xb3: {  	_ =	swait.ge [sflag:s29], $0x1  }
0xb4: {  	[sflag:s29] =	ssyncadd.s32 $0xFFFFFFFF  }
0xb5: {  	_ =	strace $0x9000004B  }
0xb6: {  	_ =	sfence  }
0xb7: {  	s30 =	sld [smem:$0x0];
	_ =	sdelay $0x2  }
0xb8: {  	s31 =	sshll.u32 s1, $0xD;
	s1 =	sshrl.u32 s1, $0x2  }
0xb9: {  	s3 =	sand.u32 $0x4000, s31;
	s1 =	sadd.s32 s1, s30  }
0xba: {  	s0 =	sor.u32 s3, s0;
	s1 =	sshll.u32 s1, $0x11  }
0xbb: {  	s0 =	sor.u32 s1, s0  }
0xbc: {  	s0 =	sadd.s32 $0x8F2B, s0  }
0xbd: {  	[sflag:s0] =	ssyncadd.remote.s32 $0x1  }
0xbe: {  	_ =	sfence.sel $0xFFFF  }
0xbf: {  	[dreg:$0x0] =	wrdreg $0xFFFFFFFF;
	(pc) =	sbr.abs _section_cstart, $3  }
0xc0: {  	[dreg:$0x1] =	wrdreg $0xFFFFFFFF  }
0xc1: {  	_ =	task.clear_ibuf [dreg:s7], $0x2FFFF;
	_ =	strace $0x9FFFFFFF  }
0xc2: {  	(tm) =	ssettm $0x7FFFFFFF  }
0xc3: {  	_ =	shalt  }
tec
execute0_lowered:
.L_overlay_start_1:
0x0: {  	(tag) =	ssettag $0x1  }
0x1: {  	s2 =	rddreg [dreg:$0x0];
	s0 =	srdreg.scid  }
0x2: {  	s4 =	rddreg [dreg:$0x1];
	s1 =	stileid.u32;
	s5 =	sand.u32 $0x1, s0  }
0x3: {  	s3 =	simm.s32 $0x0;
	s0 =	rddreg [dreg:$0x2];
	s6 =	smul.u32 $0x4E200, s5  }
0x4: {  	s7 =	sshll.u32 s1, $0x7;
	s29 =	smul.u32 $0x4E2000, s5;
	s5 =	ssub.s32 $0x2, s5  }
0x5: {  	[smem:$0x7FF] =	sst s3;
	s31 =	sshll.u32 s1, $0xB;
	s30 =	sshrl.u32 s5, $0x1  }
0x6: {  	_ =	strace $0x8000004A;
	s6 =	sadd.s32 s7, s6;
	s5 =	ssub.s32 s5, s30  }
0x7: {  	s7 =	sadd.s32 s29, s4;
	s6 =	sshrl.u32 s6, $0x3;
	s5 =	smax.u32 s5, $0x1  }
0x8: {  	s8 =	sadd.s32 s6, s4;
	s4 =	sadd.s32 $0xC200, s4;
	s6 =	sadd.s32 s31, s7  }
0x9: {  	s6 =	sadd.s32 $0x48E00, s6;
	s7 =	sadd.s32 $0xC800, s8;
	s8 =	sadd.s32 $0x35400, s8  }
.LBB2_1:
0xa: {  	p0 =	sgt.u32 s1, $0x9C3  }
0xb: {  	s9 =	sadd.s32 @!p0 $0x0, s8;
	s10 =	simm.s32 @!p0 $0x0;
	s11 =	simm.s32 @!p0 $0x4  }
0xc: {  	[tilespmem:s10], [sflag:$0x4] =	stream.linear.gather @!p0 [hbm4b:s9+s10], $0x80, $0x38;
	[tilespmem:$0x4100] =	vst v63  }
0xd: {  	_ =	swait.ge @!p0 [sflag:s11], $0x80;
	p0 =	por p0, p0  }
0xe: {  	[sflag:s11] =	ssyncset.done @!p0 $0x0  }
0xf: {  	s9 =	simm.s32 @!p0 $0x80;
	[sflag:s11] =	ssyncadd.s32 @!p0 $0xFFFFFF80  }
0x10: {  	[tilespmem:s9], [sflag:$0x1] =	stream.indirect.gather @!p0 [hbm4b:s2+s9], $0x80, s10, s9, $0xb8;
	[tilespmem:$0x4100] =	vst v63  }
0x11: {  	s12 =	simm.s32 @!p0 $0x4080;
	s13 =	simm.s32 @!p0 $0x1  }
0x12: {  	[tilespmem:s12], [sflag:$0x2] =	stream.indirect.gather @!p0 [hbm4b:s4+s9], $0x1, s10, s9, $0xb8;
	[tilespmem:$0x4100] =	vst v63  }
0x13: {  	_ =	swait.ge @!p0 [sflag:s13], $0x4000  }
0x14: {  	[sflag:s13] =	ssyncset.done @!p0 $0x0  }
0x15: {  	[sflag:s13] =	ssyncadd.s32 @!p0 $0xFFFFC000;
	s13 =	simm.s32 @!p0 $0x2  }
0x16: {  	_ =	swait.ge @!p0 [sflag:s13], $0x80  }
0x17: {  	[sflag:s13] =	ssyncset.done @!p0 $0x0  }
0x18: {  	[sflag:s13] =	ssyncadd.s32 @!p0 $0xFFFFFF80  }
0x19: {  	[hbm4b:s6+s10] =	stream.linear.scatter @!p0 [tilespmem:s9], [sflag:$0x4], $0x4000, $0x38;
	[tilespmem:$0x4100] =	vst v63  }
0x1a: {  	_ =	swait.ge @!p0 [sflag:s11], $0x4000  }
0x1b: {  	[sflag:s11] =	ssyncset.done @!p0 $0x0  }
0x1c: {  	s13 =	simm.s32 @!p0 $0x3;
	[sflag:s11] =	ssyncadd.s32 @!p0 $0xFFFFC000;
	s11 =	sadd.s32 @!p0 $0x0, s7  }
0x1d: {  	[hbm4b:s11+s10] =	stream.linear.scatter @!p0 [tilespmem:s12], [sflag:$0x3], $0x80, $0x38;
	[tilespmem:$0x4100] =	vst v63  }
0x1e: {  	s9 =	simm.s32 $0x100;
	s11 =	simm.s32 $0x200;
	s12 =	sadd.s32 $0x10, s1  }
0x1f: {  	s10 =	sadd.s32 $0x8000, s6;
	p2 =	sgt.u32 s12, $0x9C3;
	_ =	swait.ge @!p0 [sflag:s13], $0x80  }
.LBB2_2:
0x20: {  	s14 =	sadd.s32 @!p2 s9, s8;
	s15 =	simm.s32 @!p2 $0x0  }
0x21: {  	[sflag:s13] =	ssyncset.done @!p0 $0x0;
	s16 =	smov.u32 s9;
	s9 =	smov.u32 s11  }
0x22: {  	s11 =	sadd.s32 $0x100, s11;
	s17 =	simm.s32 @!p2 $0x4;
	[sflag:s13] =	ssyncadd.s32 @!p0 $0xFFFFFF80  }
0x23: {  	[tilespmem:s15], [sflag:$0x4] =	stream.linear.gather @!p2 [hbm4b:s14+s15], $0x80, $0x38;
	[tilespmem:$0x4100] =	vst v63  }
0x24: {  	p1 =	sne.s32 s11, $0x9D00;
	p0 =	por p2, p2;
	_ =	swait.ge @!p2 [sflag:s17], $0x80  }
0x25: {  	[sflag:s17] =	ssyncset.done @!p0 $0x0  }
0x26: {  	s13 =	simm.s32 @!p0 $0x80;
	[sflag:s17] =	ssyncadd.s32 @!p0 $0xFFFFFF80  }
0x27: {  	[tilespmem:s13], [sflag:$0x1] =	stream.indirect.gather @!p0 [hbm4b:s2+s13], $0x80, s15, s13, $0xb8;
	[tilespmem:$0x4100] =	vst v63  }
0x28: {  	s14 =	simm.s32 @!p0 $0x4080;
	s18 =	simm.s32 @!p0 $0x1  }
0x29: {  	[tilespmem:s14], [sflag:$0x2] =	stream.indirect.gather @!p0 [hbm4b:s4+s13], $0x1, s15, s13, $0xb8;
	[tilespmem:$0x4100] =	vst v63  }
0x2a: {  	_ =	swait.ge @!p0 [sflag:s18], $0x4000  }
0x2b: {  	[sflag:s18] =	ssyncset.done @!p0 $0x0  }
0x2c: {  	[sflag:s18] =	ssyncadd.s32 @!p0 $0xFFFFC000;
	s18 =	simm.s32 @!p0 $0x2  }
0x2d: {  	_ =	swait.ge @!p0 [sflag:s18], $0x80  }
0x2e: {  	[sflag:s18] =	ssyncset.done @!p0 $0x0  }
0x2f: {  	[sflag:s18] =	ssyncadd.s32 @!p0 $0xFFFFFF80  }
0x30: {  	[hbm4b:s10+s15] =	stream.linear.scatter @!p0 [tilespmem:s13], [sflag:$0x4], $0x4000, $0x38;
	[tilespmem:$0x4100] =	vst v63  }
.Ltmp0:
0x31: {  	_ =	swait.ge @!p0 [sflag:s17], $0x4000;
	(pc) =	sbr.rel @p1 .LBB2_2-.Ltmp0, $4  }
0x32: {  	s12 =	sadd.s32 $0x10, s12;
	[sflag:s17] =	ssyncset.done @!p0 $0x0  }
0x33: {  	s16 =	sadd.s32 @!p0 s16, s7;
	s13 =	simm.s32 @!p0 $0x3;
	[sflag:s17] =	ssyncadd.s32 @!p0 $0xFFFFC000  }
0x34: {  	[hbm4b:s16+s15] =	stream.linear.scatter @!p0 [tilespmem:s14], [sflag:$0x3], $0x80, $0x38;
	[tilespmem:$0x4100] =	vst v63  }
0x35: {  	p2 =	sgt.u32 s12, $0x9C3;
	s10 =	sadd.s32 $0x8000, s10;
	_ =	swait.ge @!p0 [sflag:s13], $0x80  }
0x36: {  	s11 =	sadd.s32 @!p2 s9, s8;
	[sflag:s13] =	ssyncset.done @!p0 $0x0  }
0x37: {  	s12 =	simm.s32 @!p2 $0x0;
	s14 =	simm.s32 @!p2 $0x4;
	[sflag:s13] =	ssyncadd.s32 @!p0 $0xFFFFFF80  }
0x38: {  	[tilespmem:s12], [sflag:$0x4] =	stream.linear.gather @!p2 [hbm4b:s11+s12], $0x80, $0x38;
	[tilespmem:$0x4100] =	vst v63  }
0x39: {  	p0 =	por p2, p2;
	_ =	swait.ge @!p2 [sflag:s14], $0x80  }
0x3a: {  	[sflag:s14] =	ssyncset.done @!p0 $0x0  }
0x3b: {  	s11 =	simm.s32 @!p0 $0x80;
	[sflag:s14] =	ssyncadd.s32 @!p0 $0xFFFFFF80  }
0x3c: {  	[tilespmem:s11], [sflag:$0x1] =	stream.indirect.gather @!p0 [hbm4b:s2+s11], $0x80, s12, s11, $0xb8;
	[tilespmem:$0x4100] =	vst v63  }
0x3d: {  	s13 =	simm.s32 @!p0 $0x4080;
	s15 =	simm.s32 @!p0 $0x1  }
0x3e: {  	[tilespmem:s13], [sflag:$0x2] =	stream.indirect.gather @!p0 [hbm4b:s4+s11], $0x1, s12, s11, $0xb8;
	[tilespmem:$0x4100] =	vst v63  }
0x3f: {  	_ =	swait.ge @!p0 [sflag:s15], $0x4000  }
0x40: {  	[sflag:s15] =	ssyncset.done @!p0 $0x0  }
0x41: {  	[sflag:s15] =	ssyncadd.s32 @!p0 $0xFFFFC000;
	s15 =	simm.s32 @!p0 $0x2  }
0x42: {  	_ =	swait.ge @!p0 [sflag:s15], $0x80  }
0x43: {  	[sflag:s15] =	ssyncset.done @!p0 $0x0  }
0x44: {  	[sflag:s15] =	ssyncadd.s32 @!p0 $0xFFFFFF80  }
0x45: {  	[hbm4b:s10+s12] =	stream.linear.scatter @!p0 [tilespmem:s11], [sflag:$0x4], $0x4000, $0x38;
	[tilespmem:$0x4100] =	vst v63  }
0x46: {  	s3 =	sadd.s32 $0x1, s3;
	_ =	swait.ge @!p0 [sflag:s14], $0x4000  }
0x47: {  	p1 =	sne.s32 s3, s5;
	s9 =	sadd.s32 @!p0 s9, s7;
	[sflag:s14] =	ssyncset.done @!p0 $0x0  }
.Ltmp1:
0x48: {  	s10 =	simm.s32 @!p0 $0x3;
	[sflag:s14] =	ssyncadd.s32 @!p0 $0xFFFFC000;
	(pc) =	sbr.rel @p1 .LBB2_1-.Ltmp1, $4  }
0x49: {  	[hbm4b:s9+s12] =	stream.linear.scatter @!p0 [tilespmem:s13], [sflag:$0x3], $0x80, $0x38;
	[tilespmem:$0x4100] =	vst v63  }
0x4a: {  	_ =	swait.ge @!p0 [sflag:s10], $0x80  }
0x4b: {  	[sflag:s10] =	ssyncset.done @!p0 $0x0  }
0x4c: {  	[sflag:s10] =	ssyncadd.s32 @!p0 $0xFFFFFF80  }
0x4d: {  	_ =	sfence.sel $0x180000  }
0x4e: {  	[bflag:$0x0] =	sbarrier.arrive $0xFFFF  }
0x4f: {  	p0 =	sne.s32 s1, $0x0;
	_ =	strace $0x9000004A  }
0x50: {  	s0 =	sadd.s32 @!p0 $0x100000, s0;
	[bflag:$0x2] =	sbarrier.arrive $0xFFFF  }
0x51: {  	[sflag:s0] =	ssyncadd.tile.s32 @!p0 $0x1;
	_ =	shalt  }
.Lfunc_end2:
_tile_overlayer_lowered:
.L_overlay_start_2:
0x52: {  	(tag) =	ssettag $0x2  }
0x53: {  	s0 =	rddreg [dreg:$0x0];
	s2 =	stileid.u32  }
0x54: {  	s1 =	rddreg [dreg:$0x1];
	p0 =	sne.s32 s2, $0x0  }
0x55: {  	s3 =	rddreg [dreg:$0x2];
	[bflag:$0x3] =	sbarrier.arrive $0xFFFF;
	s2 =	simm.s32 @!p0 $0x1C03  }
0x56: {  	[timem:s3], [sflag:s2] =	dma.local @!p0 [hbm:s0], s1  }
0x57: {  	s0 =	simm.s32 @!p0 $0x3  }
0x58: {  	_ =	swait.ge @!p0 [sflag:s0], s1  }
0x59: {  	s1 =	ssub.s32 @!p0 $0x0, s1;
	[sflag:s0] =	ssyncset.done @!p0 $0x0  }
0x5a: {  	[sflag:s0] =	ssyncadd.s32 @!p0 s1  }
0x5b: {  	[bflag:$0x3] =	sbarrier.arrive $0xFFFF  }
0x5c: {  	_ =	shalt  }

</sc_bundles>
